<compile_context>
chip_gen: v7x
topology: tpu7x:2x2x1
jax: 0.10.2.dev20260603
libtpu: 0.0.44.dev20260713+nightly
codegen_flags: <defaults>
</compile_context>

<pallas_src>
import jax
import jax.numpy as jnp
from jax import lax
from jax.experimental import pallas as pl
from jax.experimental.pallas import tpu as pltpu
from jax.experimental.pallas import tpu_sc as plsc

N = 100000
C = 128
NC, NS = 2, 16
NW = NC * NS
CH = 224
G = CH // 16

NCHUNK = -(-N // (NW * CH))
R = NCHUNK * CH
RL = N - (NW - 1) * R
FL = RL // CH
TL = RL - FL * CH
GL = TL // 16
IDXA = NW * R - N + R
assert RL > 0 and RL % 16 == 0 and TL % 16 == 0
assert FL >= 2 and FL % 2 == 0 and GL > 0


def _onehot_body(idx_hbm, out_hbm, idx_v, buf0, buf1, sem0, sem1, isem):
    bufs = (buf0, buf1)
    sems = (sem0, sem1)
    wid = lax.axis_index("s") * NC + lax.axis_index("c")
    islast = wid == NW - 1
    base = wid * R
    abase = pl.multiple_of(jnp.minimum(base, N - R), 8)
    off = base - abase

    stage = pltpu.async_copy(
        idx_hbm.at[pl.ds(abase, R)], idx_v.at[pl.ds(0, R)], isem)

    rows0 = lax.iota(jnp.int32, 16) * C
    ones = jnp.ones((16,), jnp.int32)
    zeros = jnp.zeros((16,), jnp.int32)

    def zero_rows(buf, lo, hi):
        def zbody(i, carry):
            buf[pl.ds(i * 16, 16)] = zeros
            return carry
        lax.fori_loop(lo * C // 16, hi * C // 16, zbody, 0, unroll=8)

    zero_rows(buf0, 0, CH)
    stage.wait()

    def drain(b, nrows=CH):
        pltpu.make_async_copy(
            bufs[b].at[pl.ds(0, nrows * C)],
            out_hbm.at[pl.ds(0, nrows * C)], sems[b]).wait()

    def clear_chunk(k, b):
        for g in range(G):
            old = idx_v[pl.ds(off + k * CH + g * 16, 16)]
            plsc.store_scatter(bufs[b], [rows0 + g * 16 * C + old], zeros)

    def ones_chunk(k, b, ngroups=G):
        for g in range(ngroups):
            cols = idx_v[pl.ds(off + k * CH + g * 16, 16)]
            plsc.store_scatter(bufs[b], [rows0 + g * 16 * C + cols], ones)

    def dma_out(k, b, nrows=CH):
        pltpu.async_copy(
            bufs[b].at[pl.ds(0, nrows * C)],
            out_hbm.at[pl.ds((base + k * CH) * C, nrows * C)],
            sems[b])

    ones_chunk(0, 0)
    dma_out(0, 0)
    zero_rows(buf1, 0, CH)
    ones_chunk(1, 1)
    dma_out(1, 1)

    def loop_body(j, carry):
        k = 2 + 2 * j
        for b in range(2):
            drain(b)
            clear_chunk(k + b - 2, b)
            ones_chunk(k + b, b)
            dma_out(k + b, b)
        return carry
    if FL > 2:
        lax.fori_loop(0, (FL - 2) // 2, loop_body, 0)

    def drain_chunk(kprev, b):
        if kprev < FL:
            drain(b)
        else:
            @pl.when(jnp.logical_not(islast))
            def _():
                drain(b)

            if kprev == FL:
                @pl.when(islast)
                def _():
                    drain(b, nrows=TL)

    for k in range(FL, NCHUNK):
        b = k % 2
        drain_chunk(k - 2, b)
        clear_chunk(k - 2, b)

        @pl.when(jnp.logical_not(islast))
        def _():
            ones_chunk(k, b)
            dma_out(k, b)

        if k == FL:
            @pl.when(islast)
            def _():
                ones_chunk(k, b, ngroups=GL)
                dma_out(k, b, nrows=TL)

    for kk in (NCHUNK - 2, NCHUNK - 1):
        drain_chunk(kk, kk % 2)


_onehot_sc = pl.kernel(
    _onehot_body,
    out_type=jax.ShapeDtypeStruct((N * C,), jnp.int32),
    mesh=plsc.VectorSubcoreMesh(core_axis_name="c", subcore_axis_name="s"),
    compiler_params=pltpu.CompilerParams(needs_layout_passes=False),
    scratch_types=[
        pltpu.VMEM((IDXA,), jnp.int32),
        pltpu.VMEM((CH * C,), jnp.int32),
        pltpu.VMEM((CH * C,), jnp.int32),
        pltpu.SemaphoreType.DMA,
        pltpu.SemaphoreType.DMA,
        pltpu.SemaphoreType.DMA,
    ],
)


def kernel(x, weight):
    del x
    return _onehot_sc(weight).reshape(N, C)

# --- scband reference (transcript-rebuilt; emitter-appended) ---
"""Pipeline reference for scband-test-mod-11879879543836 (READ-ONLY COPY).

The authoritative reference and input builder live on the scoring server;
editing this copy changes nothing except your own understanding.
"""

import jax, jax.numpy as jnp
import numpy as np

SIZE = 100000
MAXINT = 128

def setup_inputs(seed: int = 0) -> dict:
    key = jax.random.key(seed)
    k1, k2 = jax.random.split(key)
    x = jax.random.normal(k1, (16384,), dtype=jnp.float32)
    # learned/buffer parameter from __init__: integer class ids in [0, maxint)
    weight = jax.random.randint(k2, (SIZE,), 0, MAXINT, dtype=jnp.int32)
    return {"x": x, "weight": weight}

def reference(x, weight):
    # Faithful translation of F.one_hot(self.weight, num_classes=self.maxint).
    # Note: the forward ignores x entirely, exactly as the torch module does.
    # torch returns int64; CPU jax without x64 uses int32 (same values).
    out = jax.nn.one_hot(weight, MAXINT, dtype=jnp.int32)
    return out

if __name__ == "__main__":
    import jax
    _d = setup_inputs()
    print(jax.jit(kernel)(*tuple(_d.values())))

</pallas_src>

<mosaic_0001>
#map = affine_map<(d0, d1) -> (0)>
module attributes {stable_mosaic.version = 14 : i64} {
  func.func @_onehot_body(%arg0: i32, %arg1: i32, %arg2: memref<100000xi32, #tpu.memory_space<hbm>>, %arg3: memref<12800000xi32, #tpu.memory_space<hbm>>, %arg4: memref<3488xi32, #tpu.memory_space<vmem>>, %arg5: memref<28672xi32, #tpu.memory_space<vmem>>, %arg6: memref<28672xi32, #tpu.memory_space<vmem>>, %arg7: memref<!tpu.dma_semaphore, #tpu.memory_space<semaphore_mem>>, %arg8: memref<!tpu.dma_semaphore, #tpu.memory_space<semaphore_mem>>, %arg9: memref<!tpu.dma_semaphore, #tpu.memory_space<semaphore_mem>>) attributes {dimension_semantics = [#tpu.dimension_semantics<core_parallel>, #tpu.dimension_semantics<subcore_parallel>], iteration_bounds = array<i64: 2, 16>, scalar_prefetch = 0 : i64, scratch_operands = 6 : i64, tpu.core_type = #tpu.core_type<sc_vector_subcore>, window_params = [{transform_indices = #map}, {transform_indices = #map}]} {
    %mul3A = arith.constant 2 : i32
    %mul3A_0 = arith.muli %arg1, %mul3A : i32
    %add3A = arith.addi %mul3A_0, %arg0 : i32
    %eq3A = arith.constant 31 : i32
    %eq3A_1 = arith.cmpi eq, %add3A, %eq3A : i32
    %mul3A_2 = arith.constant 3136 : i32
    %mul3A_3 = arith.muli %add3A, %mul3A_2 : i32
    %min3A = arith.constant 96864 : i32
    %min3A_4 = arith.minsi %mul3A_3, %min3A : i32
    %multiple_of3A = tpu.assume_multiple %min3A_4, 8 : i32
    %sub3A = arith.subi %mul3A_3, %multiple_of3A : i32
    %dma_start3A = arith.constant 0 : i32
    %dma_start3A_5 = tpu.memref_slice %arg4[%dma_start3A] : memref<3488xi32, #tpu.memory_space<vmem>> -> memref<3136xi32, #tpu.memory_space<vmem>>
    %dma_start3A_6 = tpu.memref_slice %arg2[%multiple_of3A] : memref<100000xi32, #tpu.memory_space<hbm>> -> memref<3136xi32, #tpu.memory_space<hbm>>
    %dma_start3A_7 = arith.constant 0 : i32
    %dma_start3A_8 = tpu.memref_slice %arg4[%dma_start3A_7] : memref<3488xi32, #tpu.memory_space<vmem>> -> memref<3136xi32, #tpu.memory_space<vmem>>
    %dma_start3A_9 = tpu.memref_slice %arg2[%multiple_of3A] : memref<100000xi32, #tpu.memory_space<hbm>> -> memref<3136xi32, #tpu.memory_space<hbm>>
    tpu.enqueue_dma source(%dma_start3A_9 : memref<3136xi32, #tpu.memory_space<hbm>>) target(%dma_start3A_8 : memref<3136xi32, #tpu.memory_space<vmem>>) target_semaphore(%arg9 : memref<!tpu.dma_semaphore, #tpu.memory_space<semaphore_mem>>)
    %iota3A = tpu.iota {dimensions = array<i32: 0>} : vector<16xi32>
    %mul3A_10 = arith.constant 128 : i32
    %mul3A_11 = vector.broadcast %mul3A_10 : i32 to vector<16xi32>
    %mul3A_12 = arith.muli %iota3A, %mul3A_11 : vector<16xi32>
    %broadcast_in_dim3A = arith.constant 1 : i32
    %broadcast_in_dim3A_13 = vector.broadcast %broadcast_in_dim3A : i32 to vector<16xi32>
    %broadcast_in_dim3A_14 = arith.constant 0 : i32
    %broadcast_in_dim3A_15 = vector.broadcast %broadcast_in_dim3A_14 : i32 to vector<16xi32>
    %scan3A = arith.constant 0 : i32
    %scan3A_16 = arith.constant 0 : i32
    %scan3A_17 = arith.constant 1792 : i32
    %scan3A_18 = arith.addi %scan3A_16, %scan3A_17 : i32
    %scan3A_19 = arith.constant 8 : i32
    scf.for %scan3A_656 = %scan3A_16 to %scan3A_18 step %scan3A_19  : i32 {
      %mul3A_657 = arith.constant 16 : i32
      %mul3A_658 = arith.muli %scan3A_656, %mul3A_657 : i32
      %swap3A = arith.index_cast %mul3A_658 : i32 to index
      %swap3A_659 = tpu.vector_load %arg5[%swap3A] {strides = array<i32>} : memref<28672xi32, #tpu.memory_space<vmem>>, vector<16xi32>,
      tpu.vector_store %arg5[%swap3A], %broadcast_in_dim3A_15 {strides = array<i32>} : memref<28672xi32, #tpu.memory_space<vmem>>, vector<16xi32>,
      %scan3A_660 = arith.constant 1 : i32
      %scan3A_661 = arith.addi %scan3A_656, %scan3A_660 : i32
      %mul3A_662 = arith.constant 16 : i32
      %mul3A_663 = arith.muli %scan3A_661, %mul3A_662 : i32
      %swap3A_664 = arith.index_cast %mul3A_663 : i32 to index
      %swap3A_665 = tpu.vector_load %arg5[%swap3A_664] {strides = array<i32>} : memref<28672xi32, #tpu.memory_space<vmem>>, vector<16xi32>,
      tpu.vector_store %arg5[%swap3A_664], %broadcast_in_dim3A_15 {strides = array<i32>} : memref<28672xi32, #tpu.memory_space<vmem>>, vector<16xi32>,
      %scan3A_666 = arith.constant 2 : i32
      %scan3A_667 = arith.addi %scan3A_656, %scan3A_666 : i32
      %mul3A_668 = arith.constant 16 : i32
      %mul3A_669 = arith.muli %scan3A_667, %mul3A_668 : i32
      %swap3A_670 = arith.index_cast %mul3A_669 : i32 to index
      %swap3A_671 = tpu.vector_load %arg5[%swap3A_670] {strides = array<i32>} : memref<28672xi32, #tpu.memory_space<vmem>>, vector<16xi32>,
      tpu.vector_store %arg5[%swap3A_670], %broadcast_in_dim3A_15 {strides = array<i32>} : memref<28672xi32, #tpu.memory_space<vmem>>, vector<16xi32>,
      %scan3A_672 = arith.constant 3 : i32
      %scan3A_673 = arith.addi %scan3A_656, %scan3A_672 : i32
      %mul3A_674 = arith.constant 16 : i32
      %mul3A_675 = arith.muli %scan3A_673, %mul3A_674 : i32
      %swap3A_676 = arith.index_cast %mul3A_675 : i32 to index
      %swap3A_677 = tpu.vector_load %arg5[%swap3A_676] {strides = array<i32>} : memref<28672xi32, #tpu.memory_space<vmem>>, vector<16xi32>,
      tpu.vector_store %arg5[%swap3A_676], %broadcast_in_dim3A_15 {strides = array<i32>} : memref<28672xi32, #tpu.memory_space<vmem>>, vector<16xi32>,
      %scan3A_678 = arith.constant 4 : i32
      %scan3A_679 = arith.addi %scan3A_656, %scan3A_678 : i32
      %mul3A_680 = arith.constant 16 : i32
      %mul3A_681 = arith.muli %scan3A_679, %mul3A_680 : i32
      %swap3A_682 = arith.index_cast %mul3A_681 : i32 to index
      %swap3A_683 = tpu.vector_load %arg5[%swap3A_682] {strides = array<i32>} : memref<28672xi32, #tpu.memory_space<vmem>>, vector<16xi32>,
      tpu.vector_store %arg5[%swap3A_682], %broadcast_in_dim3A_15 {strides = array<i32>} : memref<28672xi32, #tpu.memory_space<vmem>>, vector<16xi32>,
      %scan3A_684 = arith.constant 5 : i32
      %scan3A_685 = arith.addi %scan3A_656, %scan3A_684 : i32
      %mul3A_686 = arith.constant 16 : i32
      %mul3A_687 = arith.muli %scan3A_685, %mul3A_686 : i32
      %swap3A_688 = arith.index_cast %mul3A_687 : i32 to index
      %swap3A_689 = tpu.vector_load %arg5[%swap3A_688] {strides = array<i32>} : memref<28672xi32, #tpu.memory_space<vmem>>, vector<16xi32>,
      tpu.vector_store %arg5[%swap3A_688], %broadcast_in_dim3A_15 {strides = array<i32>} : memref<28672xi32, #tpu.memory_space<vmem>>, vector<16xi32>,
      %scan3A_690 = arith.constant 6 : i32
      %scan3A_691 = arith.addi %scan3A_656, %scan3A_690 : i32
      %mul3A_692 = arith.constant 16 : i32
      %mul3A_693 = arith.muli %scan3A_691, %mul3A_692 : i32
      %swap3A_694 = arith.index_cast %mul3A_693 : i32 to index
      %swap3A_695 = tpu.vector_load %arg5[%swap3A_694] {strides = array<i32>} : memref<28672xi32, #tpu.memory_space<vmem>>, vector<16xi32>,
      tpu.vector_store %arg5[%swap3A_694], %broadcast_in_dim3A_15 {strides = array<i32>} : memref<28672xi32, #tpu.memory_space<vmem>>, vector<16xi32>,
      %scan3A_696 = arith.constant 7 : i32
      %scan3A_697 = arith.addi %scan3A_656, %scan3A_696 : i32
      %mul3A_698 = arith.constant 16 : i32
      %mul3A_699 = arith.muli %scan3A_697, %mul3A_698 : i32
      %swap3A_700 = arith.index_cast %mul3A_699 : i32 to index
      %swap3A_701 = tpu.vector_load %arg5[%swap3A_700] {strides = array<i32>} : memref<28672xi32, #tpu.memory_space<vmem>>, vector<16xi32>,
      tpu.vector_store %arg5[%swap3A_700], %broadcast_in_dim3A_15 {strides = array<i32>} : memref<28672xi32, #tpu.memory_space<vmem>>, vector<16xi32>,
    }
    %scan3A_20 = arith.constant 1792 : i32
    %dma_wait3A = arith.constant 0 : i32
    %dma_wait3A_21 = tpu.memref_slice %arg4[%dma_wait3A] : memref<3488xi32, #tpu.memory_space<vmem>> -> memref<3136xi32, #tpu.memory_space<vmem>>
    %dma_wait3A_22 = tpu.memref_slice %arg2[%multiple_of3A] : memref<100000xi32, #tpu.memory_space<hbm>> -> memref<3136xi32, #tpu.memory_space<hbm>>
    %dma_wait3A_23 = arith.constant 0 : i32
    %dma_wait3A_24 = tpu.memref_slice %arg4[%dma_wait3A_23] : memref<3488xi32, #tpu.memory_space<vmem>> -> memref<3136xi32, #tpu.memory_space<vmem>>
    %dma_wait3A_25 = tpu.memref_slice %arg2[%multiple_of3A] : memref<100000xi32, #tpu.memory_space<hbm>> -> memref<3136xi32, #tpu.memory_space<hbm>>
    tpu.wait_dma2 semaphore(%arg9 : memref<!tpu.dma_semaphore, #tpu.memory_space<semaphore_mem>>) src(%dma_wait3A_25 : memref<3136xi32, #tpu.memory_space<hbm>>) dst(%dma_wait3A_24 : memref<3136xi32, #tpu.memory_space<vmem>>)
    %add3A_26 = arith.constant 0 : i32
    %add3A_27 = arith.addi %sub3A, %add3A_26 : i32
    %add3A_28 = arith.constant 0 : i32
    %add3A_29 = arith.addi %add3A_27, %add3A_28 : i32
    %get3A = arith.index_cast %add3A_29 : i32 to index
    %get3A_30 = tpu.vector_load %arg4[%get3A] {strides = array<i32>} : memref<3488xi32, #tpu.memory_space<vmem>>, vector<16xi32>,
    %add3A_31 = arith.constant 0 : i32
    %add3A_32 = vector.broadcast %add3A_31 : i32 to vector<16xi32>
    %add3A_33 = arith.addi %mul3A_12, %add3A_32 : vector<16xi32>
    %add3A_34 = arith.addi %add3A_33, %get3A_30 : vector<16xi32>
    tpu.vector_store_idx %arg5[%add3A_34], %broadcast_in_dim3A_13 : memref<28672xi32, #tpu.memory_space<vmem>>[vector<16xi32>], vector<16xi32>,
    %add3A_35 = arith.constant 0 : i32
    %add3A_36 = arith.addi %sub3A, %add3A_35 : i32
    %add3A_37 = arith.constant 16 : i32
    %add3A_38 = arith.addi %add3A_36, %add3A_37 : i32
    %get3A_39 = arith.index_cast %add3A_38 : i32 to index
    %get3A_40 = tpu.vector_load %arg4[%get3A_39] {strides = array<i32>} : memref<3488xi32, #tpu.memory_space<vmem>>, vector<16xi32>,
    %add3A_41 = arith.constant 2048 : i32
    %add3A_42 = vector.broadcast %add3A_41 : i32 to vector<16xi32>
    %add3A_43 = arith.addi %mul3A_12, %add3A_42 : vector<16xi32>
    %add3A_44 = arith.addi %add3A_43, %get3A_40 : vector<16xi32>
    tpu.vector_store_idx %arg5[%add3A_44], %broadcast_in_dim3A_13 : memref<28672xi32, #tpu.memory_space<vmem>>[vector<16xi32>], vector<16xi32>,
    %add3A_45 = arith.constant 0 : i32
    %add3A_46 = arith.addi %sub3A, %add3A_45 : i32
    %add3A_47 = arith.constant 32 : i32
    %add3A_48 = arith.addi %add3A_46, %add3A_47 : i32
    %get3A_49 = arith.index_cast %add3A_48 : i32 to index
    %get3A_50 = tpu.vector_load %arg4[%get3A_49] {strides = array<i32>} : memref<3488xi32, #tpu.memory_space<vmem>>, vector<16xi32>,
    %add3A_51 = arith.constant 4096 : i32
    %add3A_52 = vector.broadcast %add3A_51 : i32 to vector<16xi32>
    %add3A_53 = arith.addi %mul3A_12, %add3A_52 : vector<16xi32>
    %add3A_54 = arith.addi %add3A_53, %get3A_50 : vector<16xi32>
    tpu.vector_store_idx %arg5[%add3A_54], %broadcast_in_dim3A_13 : memref<28672xi32, #tpu.memory_space<vmem>>[vector<16xi32>], vector<16xi32>,
    %add3A_55 = arith.constant 0 : i32
    %add3A_56 = arith.addi %sub3A, %add3A_55 : i32
    %add3A_57 = arith.constant 48 : i32
    %add3A_58 = arith.addi %add3A_56, %add3A_57 : i32
    %get3A_59 = arith.index_cast %add3A_58 : i32 to index
    %get3A_60 = tpu.vector_load %arg4[%get3A_59] {strides = array<i32>} : memref<3488xi32, #tpu.memory_space<vmem>>, vector<16xi32>,
    %add3A_61 = arith.constant 6144 : i32
    %add3A_62 = vector.broadcast %add3A_61 : i32 to vector<16xi32>
    %add3A_63 = arith.addi %mul3A_12, %add3A_62 : vector<16xi32>
    %add3A_64 = arith.addi %add3A_63, %get3A_60 : vector<16xi32>
    tpu.vector_store_idx %arg5[%add3A_64], %broadcast_in_dim3A_13 : memref<28672xi32, #tpu.memory_space<vmem>>[vector<16xi32>], vector<16xi32>,
    %add3A_65 = arith.constant 0 : i32
    %add3A_66 = arith.addi %sub3A, %add3A_65 : i32
    %add3A_67 = arith.constant 64 : i32
    %add3A_68 = arith.addi %add3A_66, %add3A_67 : i32
    %get3A_69 = arith.index_cast %add3A_68 : i32 to index
    %get3A_70 = tpu.vector_load %arg4[%get3A_69] {strides = array<i32>} : memref<3488xi32, #tpu.memory_space<vmem>>, vector<16xi32>,
    %add3A_71 = arith.constant 8192 : i32
    %add3A_72 = vector.broadcast %add3A_71 : i32 to vector<16xi32>
    %add3A_73 = arith.addi %mul3A_12, %add3A_72 : vector<16xi32>
    %add3A_74 = arith.addi %add3A_73, %get3A_70 : vector<16xi32>
    tpu.vector_store_idx %arg5[%add3A_74], %broadcast_in_dim3A_13 : memref<28672xi32, #tpu.memory_space<vmem>>[vector<16xi32>], vector<16xi32>,
    %add3A_75 = arith.constant 0 : i32
    %add3A_76 = arith.addi %sub3A, %add3A_75 : i32
    %add3A_77 = arith.constant 80 : i32
    %add3A_78 = arith.addi %add3A_76, %add3A_77 : i32
    %get3A_79 = arith.index_cast %add3A_78 : i32 to index
    %get3A_80 = tpu.vector_load %arg4[%get3A_79] {strides = array<i32>} : memref<3488xi32, #tpu.memory_space<vmem>>, vector<16xi32>,
    %add3A_81 = arith.constant 10240 : i32
    %add3A_82 = vector.broadcast %add3A_81 : i32 to vector<16xi32>
    %add3A_83 = arith.addi %mul3A_12, %add3A_82 : vector<16xi32>
    %add3A_84 = arith.addi %add3A_83, %get3A_80 : vector<16xi32>
    tpu.vector_store_idx %arg5[%add3A_84], %broadcast_in_dim3A_13 : memref<28672xi32, #tpu.memory_space<vmem>>[vector<16xi32>], vector<16xi32>,
    %add3A_85 = arith.constant 0 : i32
    %add3A_86 = arith.addi %sub3A, %add3A_85 : i32
    %add3A_87 = arith.constant 96 : i32
    %add3A_88 = arith.addi %add3A_86, %add3A_87 : i32
    %get3A_89 = arith.index_cast %add3A_88 : i32 to index
    %get3A_90 = tpu.vector_load %arg4[%get3A_89] {strides = array<i32>} : memref<3488xi32, #tpu.memory_space<vmem>>, vector<16xi32>,
    %add3A_91 = arith.constant 12288 : i32
    %add3A_92 = vector.broadcast %add3A_91 : i32 to vector<16xi32>
    %add3A_93 = arith.addi %mul3A_12, %add3A_92 : vector<16xi32>
    %add3A_94 = arith.addi %add3A_93, %get3A_90 : vector<16xi32>
    tpu.vector_store_idx %arg5[%add3A_94], %broadcast_in_dim3A_13 : memref<28672xi32, #tpu.memory_space<vmem>>[vector<16xi32>], vector<16xi32>,
    %add3A_95 = arith.constant 0 : i32
    %add3A_96 = arith.addi %sub3A, %add3A_95 : i32
    %add3A_97 = arith.constant 112 : i32
    %add3A_98 = arith.addi %add3A_96, %add3A_97 : i32
    %get3A_99 = arith.index_cast %add3A_98 : i32 to index
    %get3A_100 = tpu.vector_load %arg4[%get3A_99] {strides = array<i32>} : memref<3488xi32, #tpu.memory_space<vmem>>, vector<16xi32>,
    %add3A_101 = arith.constant 14336 : i32
    %add3A_102 = vector.broadcast %add3A_101 : i32 to vector<16xi32>
    %add3A_103 = arith.addi %mul3A_12, %add3A_102 : vector<16xi32>
    %add3A_104 = arith.addi %add3A_103, %get3A_100 : vector<16xi32>
    tpu.vector_store_idx %arg5[%add3A_104], %broadcast_in_dim3A_13 : memref<28672xi32, #tpu.memory_space<vmem>>[vector<16xi32>], vector<16xi32>,
    %add3A_105 = arith.constant 0 : i32
    %add3A_106 = arith.addi %sub3A, %add3A_105 : i32
    %add3A_107 = arith.constant 128 : i32
    %add3A_108 = arith.addi %add3A_106, %add3A_107 : i32
    %get3A_109 = arith.index_cast %add3A_108 : i32 to index
    %get3A_110 = tpu.vector_load %arg4[%get3A_109] {strides = array<i32>} : memref<3488xi32, #tpu.memory_space<vmem>>, vector<16xi32>,
    %add3A_111 = arith.constant 16384 : i32
    %add3A_112 = vector.broadcast %add3A_111 : i32 to vector<16xi32>
    %add3A_113 = arith.addi %mul3A_12, %add3A_112 : vector<16xi32>
    %add3A_114 = arith.addi %add3A_113, %get3A_110 : vector<16xi32>
    tpu.vector_store_idx %arg5[%add3A_114], %broadcast_in_dim3A_13 : memref<28672xi32, #tpu.memory_space<vmem>>[vector<16xi32>], vector<16xi32>,
    %add3A_115 = arith.constant 0 : i32
    %add3A_116 = arith.addi %sub3A, %add3A_115 : i32
    %add3A_117 = arith.constant 144 : i32
    %add3A_118 = arith.addi %add3A_116, %add3A_117 : i32
    %get3A_119 = arith.index_cast %add3A_118 : i32 to index
    %get3A_120 = tpu.vector_load %arg4[%get3A_119] {strides = array<i32>} : memref<3488xi32, #tpu.memory_space<vmem>>, vector<16xi32>,
    %add3A_121 = arith.constant 18432 : i32
    %add3A_122 = vector.broadcast %add3A_121 : i32 to vector<16xi32>
    %add3A_123 = arith.addi %mul3A_12, %add3A_122 : vector<16xi32>
    %add3A_124 = arith.addi %add3A_123, %get3A_120 : vector<16xi32>
    tpu.vector_store_idx %arg5[%add3A_124], %broadcast_in_dim3A_13 : memref<28672xi32, #tpu.memory_space<vmem>>[vector<16xi32>], vector<16xi32>,
    %add3A_125 = arith.constant 0 : i32
    %add3A_126 = arith.addi %sub3A, %add3A_125 : i32
    %add3A_127 = arith.constant 160 : i32
    %add3A_128 = arith.addi %add3A_126, %add3A_127 : i32
    %get3A_129 = arith.index_cast %add3A_128 : i32 to index
    %get3A_130 = tpu.vector_load %arg4[%get3A_129] {strides = array<i32>} : memref<3488xi32, #tpu.memory_space<vmem>>, vector<16xi32>,
    %add3A_131 = arith.constant 20480 : i32
    %add3A_132 = vector.broadcast %add3A_131 : i32 to vector<16xi32>
    %add3A_133 = arith.addi %mul3A_12, %add3A_132 : vector<16xi32>
    %add3A_134 = arith.addi %add3A_133, %get3A_130 : vector<16xi32>
    tpu.vector_store_idx %arg5[%add3A_134], %broadcast_in_dim3A_13 : memref<28672xi32, #tpu.memory_space<vmem>>[vector<16xi32>], vector<16xi32>,
    %add3A_135 = arith.constant 0 : i32
    %add3A_136 = arith.addi %sub3A, %add3A_135 : i32
    %add3A_137 = arith.constant 176 : i32
    %add3A_138 = arith.addi %add3A_136, %add3A_137 : i32
    %get3A_139 = arith.index_cast %add3A_138 : i32 to index
    %get3A_140 = tpu.vector_load %arg4[%get3A_139] {strides = array<i32>} : memref<3488xi32, #tpu.memory_space<vmem>>, vector<16xi32>,
    %add3A_141 = arith.constant 22528 : i32
    %add3A_142 = vector.broadcast %add3A_141 : i32 to vector<16xi32>
    %add3A_143 = arith.addi %mul3A_12, %add3A_142 : vector<16xi32>
    %add3A_144 = arith.addi %add3A_143, %get3A_140 : vector<16xi32>
    tpu.vector_store_idx %arg5[%add3A_144], %broadcast_in_dim3A_13 : memref<28672xi32, #tpu.memory_space<vmem>>[vector<16xi32>], vector<16xi32>,
    %add3A_145 = arith.constant 0 : i32
    %add3A_146 = arith.addi %sub3A, %add3A_145 : i32
    %add3A_147 = arith.constant 192 : i32
    %add3A_148 = arith.addi %add3A_146, %add3A_147 : i32
    %get3A_149 = arith.index_cast %add3A_148 : i32 to index
    %get3A_150 = tpu.vector_load %arg4[%get3A_149] {strides = array<i32>} : memref<3488xi32, #tpu.memory_space<vmem>>, vector<16xi32>,
    %add3A_151 = arith.constant 24576 : i32
    %add3A_152 = vector.broadcast %add3A_151 : i32 to vector<16xi32>
    %add3A_153 = arith.addi %mul3A_12, %add3A_152 : vector<16xi32>
    %add3A_154 = arith.addi %add3A_153, %get3A_150 : vector<16xi32>
    tpu.vector_store_idx %arg5[%add3A_154], %broadcast_in_dim3A_13 : memref<28672xi32, #tpu.memory_space<vmem>>[vector<16xi32>], vector<16xi32>,
    %add3A_155 = arith.constant 0 : i32
    %add3A_156 = arith.addi %sub3A, %add3A_155 : i32
    %add3A_157 = arith.constant 208 : i32
    %add3A_158 = arith.addi %add3A_156, %add3A_157 : i32
    %get3A_159 = arith.index_cast %add3A_158 : i32 to index
    %get3A_160 = tpu.vector_load %arg4[%get3A_159] {strides = array<i32>} : memref<3488xi32, #tpu.memory_space<vmem>>, vector<16xi32>,
    %add3A_161 = arith.constant 26624 : i32
    %add3A_162 = vector.broadcast %add3A_161 : i32 to vector<16xi32>
    %add3A_163 = arith.addi %mul3A_12, %add3A_162 : vector<16xi32>
    %add3A_164 = arith.addi %add3A_163, %get3A_160 : vector<16xi32>
    tpu.vector_store_idx %arg5[%add3A_164], %broadcast_in_dim3A_13 : memref<28672xi32, #tpu.memory_space<vmem>>[vector<16xi32>], vector<16xi32>,
    %add3A_165 = arith.constant 0 : i32
    %add3A_166 = arith.addi %mul3A_3, %add3A_165 : i32
    %mul3A_167 = arith.constant 128 : i32
    %mul3A_168 = arith.muli %add3A_166, %mul3A_167 : i32
    %dma_start3A_169 = arith.constant 0 : i32
    %dma_start3A_170 = tpu.memref_slice %arg5[%dma_start3A_169] : memref<28672xi32, #tpu.memory_space<vmem>> -> memref<28672xi32, #tpu.memory_space<vmem>>
    %dma_start3A_171 = tpu.memref_slice %arg3[%mul3A_168] : memref<12800000xi32, #tpu.memory_space<hbm>> -> memref<28672xi32, #tpu.memory_space<hbm>>
    %dma_start3A_172 = tpu.memref_slice %arg3[%mul3A_168] : memref<12800000xi32, #tpu.memory_space<hbm>> -> memref<28672xi32, #tpu.memory_space<hbm>>
    %dma_start3A_173 = arith.constant 0 : i32
    %dma_start3A_174 = tpu.memref_slice %arg5[%dma_start3A_173] : memref<28672xi32, #tpu.memory_space<vmem>> -> memref<28672xi32, #tpu.memory_space<vmem>>
    tpu.enqueue_dma source(%dma_start3A_174 : memref<28672xi32, #tpu.memory_space<vmem>>) target(%dma_start3A_172 : memref<28672xi32, #tpu.memory_space<hbm>>) target_semaphore(%arg7 : memref<!tpu.dma_semaphore, #tpu.memory_space<semaphore_mem>>)
    %scan3A_175 = arith.constant 0 : i32
    %scan3A_176 = arith.constant 0 : i32
    %scan3A_177 = arith.constant 1792 : i32
    %scan3A_178 = arith.addi %scan3A_176, %scan3A_177 : i32
    %scan3A_179 = arith.constant 8 : i32
    scf.for %scan3A_656 = %scan3A_176 to %scan3A_178 step %scan3A_179  : i32 {
      %mul3A_657 = arith.constant 16 : i32
      %mul3A_658 = arith.muli %scan3A_656, %mul3A_657 : i32
      %swap3A = arith.index_cast %mul3A_658 : i32 to index
      %swap3A_659 = tpu.vector_load %arg6[%swap3A] {strides = array<i32>} : memref<28672xi32, #tpu.memory_space<vmem>>, vector<16xi32>,
      tpu.vector_store %arg6[%swap3A], %broadcast_in_dim3A_15 {strides = array<i32>} : memref<28672xi32, #tpu.memory_space<vmem>>, vector<16xi32>,
      %scan3A_660 = arith.constant 1 : i32
      %scan3A_661 = arith.addi %scan3A_656, %scan3A_660 : i32
      %mul3A_662 = arith.constant 16 : i32
      %mul3A_663 = arith.muli %scan3A_661, %mul3A_662 : i32
      %swap3A_664 = arith.index_cast %mul3A_663 : i32 to index
      %swap3A_665 = tpu.vector_load %arg6[%swap3A_664] {strides = array<i32>} : memref<28672xi32, #tpu.memory_space<vmem>>, vector<16xi32>,
      tpu.vector_store %arg6[%swap3A_664], %broadcast_in_dim3A_15 {strides = array<i32>} : memref<28672xi32, #tpu.memory_space<vmem>>, vector<16xi32>,
      %scan3A_666 = arith.constant 2 : i32
      %scan3A_667 = arith.addi %scan3A_656, %scan3A_666 : i32
      %mul3A_668 = arith.constant 16 : i32
      %mul3A_669 = arith.muli %scan3A_667, %mul3A_668 : i32
      %swap3A_670 = arith.index_cast %mul3A_669 : i32 to index
      %swap3A_671 = tpu.vector_load %arg6[%swap3A_670] {strides = array<i32>} : memref<28672xi32, #tpu.memory_space<vmem>>, vector<16xi32>,
      tpu.vector_store %arg6[%swap3A_670], %broadcast_in_dim3A_15 {strides = array<i32>} : memref<28672xi32, #tpu.memory_space<vmem>>, vector<16xi32>,
      %scan3A_672 = arith.constant 3 : i32
      %scan3A_673 = arith.addi %scan3A_656, %scan3A_672 : i32
      %mul3A_674 = arith.constant 16 : i32
      %mul3A_675 = arith.muli %scan3A_673, %mul3A_674 : i32
      %swap3A_676 = arith.index_cast %mul3A_675 : i32 to index
      %swap3A_677 = tpu.vector_load %arg6[%swap3A_676] {strides = array<i32>} : memref<28672xi32, #tpu.memory_space<vmem>>, vector<16xi32>,
      tpu.vector_store %arg6[%swap3A_676], %broadcast_in_dim3A_15 {strides = array<i32>} : memref<28672xi32, #tpu.memory_space<vmem>>, vector<16xi32>,
      %scan3A_678 = arith.constant 4 : i32
      %scan3A_679 = arith.addi %scan3A_656, %scan3A_678 : i32
      %mul3A_680 = arith.constant 16 : i32
      %mul3A_681 = arith.muli %scan3A_679, %mul3A_680 : i32
      %swap3A_682 = arith.index_cast %mul3A_681 : i32 to index
      %swap3A_683 = tpu.vector_load %arg6[%swap3A_682] {strides = array<i32>} : memref<28672xi32, #tpu.memory_space<vmem>>, vector<16xi32>,
      tpu.vector_store %arg6[%swap3A_682], %broadcast_in_dim3A_15 {strides = array<i32>} : memref<28672xi32, #tpu.memory_space<vmem>>, vector<16xi32>,
      %scan3A_684 = arith.constant 5 : i32
      %scan3A_685 = arith.addi %scan3A_656, %scan3A_684 : i32
      %mul3A_686 = arith.constant 16 : i32
      %mul3A_687 = arith.muli %scan3A_685, %mul3A_686 : i32
      %swap3A_688 = arith.index_cast %mul3A_687 : i32 to index
      %swap3A_689 = tpu.vector_load %arg6[%swap3A_688] {strides = array<i32>} : memref<28672xi32, #tpu.memory_space<vmem>>, vector<16xi32>,
      tpu.vector_store %arg6[%swap3A_688], %broadcast_in_dim3A_15 {strides = array<i32>} : memref<28672xi32, #tpu.memory_space<vmem>>, vector<16xi32>,
      %scan3A_690 = arith.constant 6 : i32
      %scan3A_691 = arith.addi %scan3A_656, %scan3A_690 : i32
      %mul3A_692 = arith.constant 16 : i32
      %mul3A_693 = arith.muli %scan3A_691, %mul3A_692 : i32
      %swap3A_694 = arith.index_cast %mul3A_693 : i32 to index
      %swap3A_695 = tpu.vector_load %arg6[%swap3A_694] {strides = array<i32>} : memref<28672xi32, #tpu.memory_space<vmem>>, vector<16xi32>,
      tpu.vector_store %arg6[%swap3A_694], %broadcast_in_dim3A_15 {strides = array<i32>} : memref<28672xi32, #tpu.memory_space<vmem>>, vector<16xi32>,
      %scan3A_696 = arith.constant 7 : i32
      %scan3A_697 = arith.addi %scan3A_656, %scan3A_696 : i32
      %mul3A_698 = arith.constant 16 : i32
      %mul3A_699 = arith.muli %scan3A_697, %mul3A_698 : i32
      %swap3A_700 = arith.index_cast %mul3A_699 : i32 to index
      %swap3A_701 = tpu.vector_load %arg6[%swap3A_700] {strides = array<i32>} : memref<28672xi32, #tpu.memory_space<vmem>>, vector<16xi32>,
      tpu.vector_store %arg6[%swap3A_700], %broadcast_in_dim3A_15 {strides = array<i32>} : memref<28672xi32, #tpu.memory_space<vmem>>, vector<16xi32>,
    }
    %scan3A_180 = arith.constant 1792 : i32
    %add3A_181 = arith.constant 224 : i32
    %add3A_182 = arith.addi %sub3A, %add3A_181 : i32
    %add3A_183 = arith.constant 0 : i32
    %add3A_184 = arith.addi %add3A_182, %add3A_183 : i32
    %get3A_185 = arith.index_cast %add3A_184 : i32 to index
    %get3A_186 = tpu.vector_load %arg4[%get3A_185] {strides = array<i32>} : memref<3488xi32, #tpu.memory_space<vmem>>, vector<16xi32>,
    %add3A_187 = arith.constant 0 : i32
    %add3A_188 = vector.broadcast %add3A_187 : i32 to vector<16xi32>
    %add3A_189 = arith.addi %mul3A_12, %add3A_188 : vector<16xi32>
    %add3A_190 = arith.addi %add3A_189, %get3A_186 : vector<16xi32>
    tpu.vector_store_idx %arg6[%add3A_190], %broadcast_in_dim3A_13 : memref<28672xi32, #tpu.memory_space<vmem>>[vector<16xi32>], vector<16xi32>,
    %add3A_191 = arith.constant 224 : i32
    %add3A_192 = arith.addi %sub3A, %add3A_191 : i32
    %add3A_193 = arith.constant 16 : i32
    %add3A_194 = arith.addi %add3A_192, %add3A_193 : i32
    %get3A_195 = arith.index_cast %add3A_194 : i32 to index
    %get3A_196 = tpu.vector_load %arg4[%get3A_195] {strides = array<i32>} : memref<3488xi32, #tpu.memory_space<vmem>>, vector<16xi32>,
    %add3A_197 = arith.constant 2048 : i32
    %add3A_198 = vector.broadcast %add3A_197 : i32 to vector<16xi32>
    %add3A_199 = arith.addi %mul3A_12, %add3A_198 : vector<16xi32>
    %add3A_200 = arith.addi %add3A_199, %get3A_196 : vector<16xi32>
    tpu.vector_store_idx %arg6[%add3A_200], %broadcast_in_dim3A_13 : memref<28672xi32, #tpu.memory_space<vmem>>[vector<16xi32>], vector<16xi32>,
    %add3A_201 = arith.constant 224 : i32
    %add3A_202 = arith.addi %sub3A, %add3A_201 : i32
    %add3A_203 = arith.constant 32 : i32
    %add3A_204 = arith.addi %add3A_202, %add3A_203 : i32
    %get3A_205 = arith.index_cast %add3A_204 : i32 to index
    %get3A_206 = tpu.vector_load %arg4[%get3A_205] {strides = array<i32>} : memref<3488xi32, #tpu.memory_space<vmem>>, vector<16xi32>,
    %add3A_207 = arith.constant 4096 : i32
    %add3A_208 = vector.broadcast %add3A_207 : i32 to vector<16xi32>
    %add3A_209 = arith.addi %mul3A_12, %add3A_208 : vector<16xi32>
    %add3A_210 = arith.addi %add3A_209, %get3A_206 : vector<16xi32>
    tpu.vector_store_idx %arg6[%add3A_210], %broadcast_in_dim3A_13 : memref<28672xi32, #tpu.memory_space<vmem>>[vector<16xi32>], vector<16xi32>,
    %add3A_211 = arith.constant 224 : i32
    %add3A_212 = arith.addi %sub3A, %add3A_211 : i32
    %add3A_213 = arith.constant 48 : i32
    %add3A_214 = arith.addi %add3A_212, %add3A_213 : i32
    %get3A_215 = arith.index_cast %add3A_214 : i32 to index
    %get3A_216 = tpu.vector_load %arg4[%get3A_215] {strides = array<i32>} : memref<3488xi32, #tpu.memory_space<vmem>>, vector<16xi32>,
    %add3A_217 = arith.constant 6144 : i32
    %add3A_218 = vector.broadcast %add3A_217 : i32 to vector<16xi32>
    %add3A_219 = arith.addi %mul3A_12, %add3A_218 : vector<16xi32>
    %add3A_220 = arith.addi %add3A_219, %get3A_216 : vector<16xi32>
    tpu.vector_store_idx %arg6[%add3A_220], %broadcast_in_dim3A_13 : memref<28672xi32, #tpu.memory_space<vmem>>[vector<16xi32>], vector<16xi32>,
    %add3A_221 = arith.constant 224 : i32
    %add3A_222 = arith.addi %sub3A, %add3A_221 : i32
    %add3A_223 = arith.constant 64 : i32
    %add3A_224 = arith.addi %add3A_222, %add3A_223 : i32
    %get3A_225 = arith.index_cast %add3A_224 : i32 to index
    %get3A_226 = tpu.vector_load %arg4[%get3A_225] {strides = array<i32>} : memref<3488xi32, #tpu.memory_space<vmem>>, vector<16xi32>,
    %add3A_227 = arith.constant 8192 : i32
    %add3A_228 = vector.broadcast %add3A_227 : i32 to vector<16xi32>
    %add3A_229 = arith.addi %mul3A_12, %add3A_228 : vector<16xi32>
    %add3A_230 = arith.addi %add3A_229, %get3A_226 : vector<16xi32>
    tpu.vector_store_idx %arg6[%add3A_230], %broadcast_in_dim3A_13 : memref<28672xi32, #tpu.memory_space<vmem>>[vector<16xi32>], vector<16xi32>,
    %add3A_231 = arith.constant 224 : i32
    %add3A_232 = arith.addi %sub3A, %add3A_231 : i32
    %add3A_233 = arith.constant 80 : i32
    %add3A_234 = arith.addi %add3A_232, %add3A_233 : i32
    %get3A_235 = arith.index_cast %add3A_234 : i32 to index
    %get3A_236 = tpu.vector_load %arg4[%get3A_235] {strides = array<i32>} : memref<3488xi32, #tpu.memory_space<vmem>>, vector<16xi32>,
    %add3A_237 = arith.constant 10240 : i32
    %add3A_238 = vector.broadcast %add3A_237 : i32 to vector<16xi32>
    %add3A_239 = arith.addi %mul3A_12, %add3A_238 : vector<16xi32>
    %add3A_240 = arith.addi %add3A_239, %get3A_236 : vector<16xi32>
    tpu.vector_store_idx %arg6[%add3A_240], %broadcast_in_dim3A_13 : memref<28672xi32, #tpu.memory_space<vmem>>[vector<16xi32>], vector<16xi32>,
    %add3A_241 = arith.constant 224 : i32
    %add3A_242 = arith.addi %sub3A, %add3A_241 : i32
    %add3A_243 = arith.constant 96 : i32
    %add3A_244 = arith.addi %add3A_242, %add3A_243 : i32
    %get3A_245 = arith.index_cast %add3A_244 : i32 to index
    %get3A_246 = tpu.vector_load %arg4[%get3A_245] {strides = array<i32>} : memref<3488xi32, #tpu.memory_space<vmem>>, vector<16xi32>,
    %add3A_247 = arith.constant 12288 : i32
    %add3A_248 = vector.broadcast %add3A_247 : i32 to vector<16xi32>
    %add3A_249 = arith.addi %mul3A_12, %add3A_248 : vector<16xi32>
    %add3A_250 = arith.addi %add3A_249, %get3A_246 : vector<16xi32>
    tpu.vector_store_idx %arg6[%add3A_250], %broadcast_in_dim3A_13 : memref<28672xi32, #tpu.memory_space<vmem>>[vector<16xi32>], vector<16xi32>,
    %add3A_251 = arith.constant 224 : i32
    %add3A_252 = arith.addi %sub3A, %add3A_251 : i32
    %add3A_253 = arith.constant 112 : i32
    %add3A_254 = arith.addi %add3A_252, %add3A_253 : i32
    %get3A_255 = arith.index_cast %add3A_254 : i32 to index
    %get3A_256 = tpu.vector_load %arg4[%get3A_255] {strides = array<i32>} : memref<3488xi32, #tpu.memory_space<vmem>>, vector<16xi32>,
    %add3A_257 = arith.constant 14336 : i32
    %add3A_258 = vector.broadcast %add3A_257 : i32 to vector<16xi32>
    %add3A_259 = arith.addi %mul3A_12, %add3A_258 : vector<16xi32>
    %add3A_260 = arith.addi %add3A_259, %get3A_256 : vector<16xi32>
    tpu.vector_store_idx %arg6[%add3A_260], %broadcast_in_dim3A_13 : memref<28672xi32, #tpu.memory_space<vmem>>[vector<16xi32>], vector<16xi32>,
    %add3A_261 = arith.constant 224 : i32
    %add3A_262 = arith.addi %sub3A, %add3A_261 : i32
    %add3A_263 = arith.constant 128 : i32
    %add3A_264 = arith.addi %add3A_262, %add3A_263 : i32
    %get3A_265 = arith.index_cast %add3A_264 : i32 to index
    %get3A_266 = tpu.vector_load %arg4[%get3A_265] {strides = array<i32>} : memref<3488xi32, #tpu.memory_space<vmem>>, vector<16xi32>,
    %add3A_267 = arith.constant 16384 : i32
    %add3A_268 = vector.broadcast %add3A_267 : i32 to vector<16xi32>
    %add3A_269 = arith.addi %mul3A_12, %add3A_268 : vector<16xi32>
    %add3A_270 = arith.addi %add3A_269, %get3A_266 : vector<16xi32>
    tpu.vector_store_idx %arg6[%add3A_270], %broadcast_in_dim3A_13 : memref<28672xi32, #tpu.memory_space<vmem>>[vector<16xi32>], vector<16xi32>,
    %add3A_271 = arith.constant 224 : i32
    %add3A_272 = arith.addi %sub3A, %add3A_271 : i32
    %add3A_273 = arith.constant 144 : i32
    %add3A_274 = arith.addi %add3A_272, %add3A_273 : i32
    %get3A_275 = arith.index_cast %add3A_274 : i32 to index
    %get3A_276 = tpu.vector_load %arg4[%get3A_275] {strides = array<i32>} : memref<3488xi32, #tpu.memory_space<vmem>>, vector<16xi32>,
    %add3A_277 = arith.constant 18432 : i32
    %add3A_278 = vector.broadcast %add3A_277 : i32 to vector<16xi32>
    %add3A_279 = arith.addi %mul3A_12, %add3A_278 : vector<16xi32>
    %add3A_280 = arith.addi %add3A_279, %get3A_276 : vector<16xi32>
    tpu.vector_store_idx %arg6[%add3A_280], %broadcast_in_dim3A_13 : memref<28672xi32, #tpu.memory_space<vmem>>[vector<16xi32>], vector<16xi32>,
    %add3A_281 = arith.constant 224 : i32
    %add3A_282 = arith.addi %sub3A, %add3A_281 : i32
    %add3A_283 = arith.constant 160 : i32
    %add3A_284 = arith.addi %add3A_282, %add3A_283 : i32
    %get3A_285 = arith.index_cast %add3A_284 : i32 to index
    %get3A_286 = tpu.vector_load %arg4[%get3A_285] {strides = array<i32>} : memref<3488xi32, #tpu.memory_space<vmem>>, vector<16xi32>,
    %add3A_287 = arith.constant 20480 : i32
    %add3A_288 = vector.broadcast %add3A_287 : i32 to vector<16xi32>
    %add3A_289 = arith.addi %mul3A_12, %add3A_288 : vector<16xi32>
    %add3A_290 = arith.addi %add3A_289, %get3A_286 : vector<16xi32>
    tpu.vector_store_idx %arg6[%add3A_290], %broadcast_in_dim3A_13 : memref<28672xi32, #tpu.memory_space<vmem>>[vector<16xi32>], vector<16xi32>,
    %add3A_291 = arith.constant 224 : i32
    %add3A_292 = arith.addi %sub3A, %add3A_291 : i32
    %add3A_293 = arith.constant 176 : i32
    %add3A_294 = arith.addi %add3A_292, %add3A_293 : i32
    %get3A_295 = arith.index_cast %add3A_294 : i32 to index
    %get3A_296 = tpu.vector_load %arg4[%get3A_295] {strides = array<i32>} : memref<3488xi32, #tpu.memory_space<vmem>>, vector<16xi32>,
    %add3A_297 = arith.constant 22528 : i32
    %add3A_298 = vector.broadcast %add3A_297 : i32 to vector<16xi32>
    %add3A_299 = arith.addi %mul3A_12, %add3A_298 : vector<16xi32>
    %add3A_300 = arith.addi %add3A_299, %get3A_296 : vector<16xi32>
    tpu.vector_store_idx %arg6[%add3A_300], %broadcast_in_dim3A_13 : memref<28672xi32, #tpu.memory_space<vmem>>[vector<16xi32>], vector<16xi32>,
    %add3A_301 = arith.constant 224 : i32
    %add3A_302 = arith.addi %sub3A, %add3A_301 : i32
    %add3A_303 = arith.constant 192 : i32
    %add3A_304 = arith.addi %add3A_302, %add3A_303 : i32
    %get3A_305 = arith.index_cast %add3A_304 : i32 to index
    %get3A_306 = tpu.vector_load %arg4[%get3A_305] {strides = array<i32>} : memref<3488xi32, #tpu.memory_space<vmem>>, vector<16xi32>,
    %add3A_307 = arith.constant 24576 : i32
    %add3A_308 = vector.broadcast %add3A_307 : i32 to vector<16xi32>
    %add3A_309 = arith.addi %mul3A_12, %add3A_308 : vector<16xi32>
    %add3A_310 = arith.addi %add3A_309, %get3A_306 : vector<16xi32>
    tpu.vector_store_idx %arg6[%add3A_310], %broadcast_in_dim3A_13 : memref<28672xi32, #tpu.memory_space<vmem>>[vector<16xi32>], vector<16xi32>,
    %add3A_311 = arith.constant 224 : i32
    %add3A_312 = arith.addi %sub3A, %add3A_311 : i32
    %add3A_313 = arith.constant 208 : i32
    %add3A_314 = arith.addi %add3A_312, %add3A_313 : i32
    %get3A_315 = arith.index_cast %add3A_314 : i32 to index
    %get3A_316 = tpu.vector_load %arg4[%get3A_315] {strides = array<i32>} : memref<3488xi32, #tpu.memory_space<vmem>>, vector<16xi32>,
    %add3A_317 = arith.constant 26624 : i32
    %add3A_318 = vector.broadcast %add3A_317 : i32 to vector<16xi32>
    %add3A_319 = arith.addi %mul3A_12, %add3A_318 : vector<16xi32>
    %add3A_320 = arith.addi %add3A_319, %get3A_316 : vector<16xi32>
    tpu.vector_store_idx %arg6[%add3A_320], %broadcast_in_dim3A_13 : memref<28672xi32, #tpu.memory_space<vmem>>[vector<16xi32>], vector<16xi32>,
    %add3A_321 = arith.constant 224 : i32
    %add3A_322 = arith.addi %mul3A_3, %add3A_321 : i32
    %mul3A_323 = arith.constant 128 : i32
    %mul3A_324 = arith.muli %add3A_322, %mul3A_323 : i32
    %dma_start3A_325 = arith.constant 0 : i32
    %dma_start3A_326 = tpu.memref_slice %arg6[%dma_start3A_325] : memref<28672xi32, #tpu.memory_space<vmem>> -> memref<28672xi32, #tpu.memory_space<vmem>>
    %dma_start3A_327 = tpu.memref_slice %arg3[%mul3A_324] : memref<12800000xi32, #tpu.memory_space<hbm>> -> memref<28672xi32, #tpu.memory_space<hbm>>
    %dma_start3A_328 = tpu.memref_slice %arg3[%mul3A_324] : memref<12800000xi32, #tpu.memory_space<hbm>> -> memref<28672xi32, #tpu.memory_space<hbm>>
    %dma_start3A_329 = arith.constant 0 : i32
    %dma_start3A_330 = tpu.memref_slice %arg6[%dma_start3A_329] : memref<28672xi32, #tpu.memory_space<vmem>> -> memref<28672xi32, #tpu.memory_space<vmem>>
    tpu.enqueue_dma source(%dma_start3A_330 : memref<28672xi32, #tpu.memory_space<vmem>>) target(%dma_start3A_328 : memref<28672xi32, #tpu.memory_space<hbm>>) target_semaphore(%arg8 : memref<!tpu.dma_semaphore, #tpu.memory_space<semaphore_mem>>)
    %scan3A_331 = arith.constant 0 : i32
    %scan3A_332 = arith.constant 0 : i32
    %scan3A_333 = arith.constant 5 : i32
    %scan3A_334 = arith.addi %scan3A_332, %scan3A_333 : i32
    %scan3A_335 = arith.constant 1 : i32
    scf.for %scan3A_656 = %scan3A_332 to %scan3A_334 step %scan3A_335  : i32 {
      %mul3A_657 = arith.constant 2 : i32
      %mul3A_658 = arith.muli %mul3A_657, %scan3A_656 : i32
      %add3A_659 = arith.constant 2 : i32
      %add3A_660 = arith.addi %add3A_659, %mul3A_658 : i32
      %dma_wait3A_661 = arith.constant 0 : i32
      %dma_wait3A_662 = tpu.memref_slice %arg5[%dma_wait3A_661] : memref<28672xi32, #tpu.memory_space<vmem>> -> memref<28672xi32, #tpu.memory_space<vmem>>
      %dma_wait3A_663 = arith.constant 0 : i32
      %dma_wait3A_664 = tpu.memref_slice %arg3[%dma_wait3A_663] : memref<12800000xi32, #tpu.memory_space<hbm>> -> memref<28672xi32, #tpu.memory_space<hbm>>
      %dma_wait3A_665 = arith.constant 0 : i32
      %dma_wait3A_666 = tpu.memref_slice %arg3[%dma_wait3A_665] : memref<12800000xi32, #tpu.memory_space<hbm>> -> memref<28672xi32, #tpu.memory_space<hbm>>
      %dma_wait3A_667 = arith.constant 0 : i32
      %dma_wait3A_668 = tpu.memref_slice %arg5[%dma_wait3A_667] : memref<28672xi32, #tpu.memory_space<vmem>> -> memref<28672xi32, #tpu.memory_space<vmem>>
      tpu.wait_dma2 semaphore(%arg7 : memref<!tpu.dma_semaphore, #tpu.memory_space<semaphore_mem>>) src(%dma_wait3A_668 : memref<28672xi32, #tpu.memory_space<vmem>>) dst(%dma_wait3A_666 : memref<28672xi32, #tpu.memory_space<hbm>>)
      %add3A_669 = arith.constant 0 : i32
      %add3A_670 = arith.addi %add3A_660, %add3A_669 : i32
      %sub3A_671 = arith.constant 2 : i32
      %sub3A_672 = arith.subi %add3A_670, %sub3A_671 : i32
      %mul3A_673 = arith.constant 224 : i32
      %mul3A_674 = arith.muli %sub3A_672, %mul3A_673 : i32
      %add3A_675 = arith.addi %sub3A, %mul3A_674 : i32
      %add3A_676 = arith.constant 0 : i32
      %add3A_677 = arith.addi %add3A_675, %add3A_676 : i32
      %get3A_678 = arith.index_cast %add3A_677 : i32 to index
      %get3A_679 = tpu.vector_load %arg4[%get3A_678] {strides = array<i32>} : memref<3488xi32, #tpu.memory_space<vmem>>, vector<16xi32>,
      %add3A_680 = arith.constant 0 : i32
      %add3A_681 = vector.broadcast %add3A_680 : i32 to vector<16xi32>
      %add3A_682 = arith.addi %mul3A_12, %add3A_681 : vector<16xi32>
      %add3A_683 = arith.addi %add3A_682, %get3A_679 : vector<16xi32>
      tpu.vector_store_idx %arg5[%add3A_683], %broadcast_in_dim3A_15 : memref<28672xi32, #tpu.memory_space<vmem>>[vector<16xi32>], vector<16xi32>,
      %mul3A_684 = arith.constant 224 : i32
      %mul3A_685 = arith.muli %sub3A_672, %mul3A_684 : i32
      %add3A_686 = arith.addi %sub3A, %mul3A_685 : i32
      %add3A_687 = arith.constant 16 : i32
      %add3A_688 = arith.addi %add3A_686, %add3A_687 : i32
      %get3A_689 = arith.index_cast %add3A_688 : i32 to index
      %get3A_690 = tpu.vector_load %arg4[%get3A_689] {strides = array<i32>} : memref<3488xi32, #tpu.memory_space<vmem>>, vector<16xi32>,
      %add3A_691 = arith.constant 2048 : i32
      %add3A_692 = vector.broadcast %add3A_691 : i32 to vector<16xi32>
      %add3A_693 = arith.addi %mul3A_12, %add3A_692 : vector<16xi32>
      %add3A_694 = arith.addi %add3A_693, %get3A_690 : vector<16xi32>
      tpu.vector_store_idx %arg5[%add3A_694], %broadcast_in_dim3A_15 : memref<28672xi32, #tpu.memory_space<vmem>>[vector<16xi32>], vector<16xi32>,
      %mul3A_695 = arith.constant 224 : i32
      %mul3A_696 = arith.muli %sub3A_672, %mul3A_695 : i32
      %add3A_697 = arith.addi %sub3A, %mul3A_696 : i32
      %add3A_698 = arith.constant 32 : i32
      %add3A_699 = arith.addi %add3A_697, %add3A_698 : i32
      %get3A_700 = arith.index_cast %add3A_699 : i32 to index
      %get3A_701 = tpu.vector_load %arg4[%get3A_700] {strides = array<i32>} : memref<3488xi32, #tpu.memory_space<vmem>>, vector<16xi32>,
      %add3A_702 = arith.constant 4096 : i32
      %add3A_703 = vector.broadcast %add3A_702 : i32 to vector<16xi32>
      %add3A_704 = arith.addi %mul3A_12, %add3A_703 : vector<16xi32>
      %add3A_705 = arith.addi %add3A_704, %get3A_701 : vector<16xi32>
      tpu.vector_store_idx %arg5[%add3A_705], %broadcast_in_dim3A_15 : memref<28672xi32, #tpu.memory_space<vmem>>[vector<16xi32>], vector<16xi32>,
      %mul3A_706 = arith.constant 224 : i32
      %mul3A_707 = arith.muli %sub3A_672, %mul3A_706 : i32
      %add3A_708 = arith.addi %sub3A, %mul3A_707 : i32
      %add3A_709 = arith.constant 48 : i32
      %add3A_710 = arith.addi %add3A_708, %add3A_709 : i32
      %get3A_711 = arith.index_cast %add3A_710 : i32 to index
      %get3A_712 = tpu.vector_load %arg4[%get3A_711] {strides = array<i32>} : memref<3488xi32, #tpu.memory_space<vmem>>, vector<16xi32>,
      %add3A_713 = arith.constant 6144 : i32
      %add3A_714 = vector.broadcast %add3A_713 : i32 to vector<16xi32>
      %add3A_715 = arith.addi %mul3A_12, %add3A_714 : vector<16xi32>
      %add3A_716 = arith.addi %add3A_715, %get3A_712 : vector<16xi32>
      tpu.vector_store_idx %arg5[%add3A_716], %broadcast_in_dim3A_15 : memref<28672xi32, #tpu.memory_space<vmem>>[vector<16xi32>], vector<16xi32>,
      %mul3A_717 = arith.constant 224 : i32
      %mul3A_718 = arith.muli %sub3A_672, %mul3A_717 : i32
      %add3A_719 = arith.addi %sub3A, %mul3A_718 : i32
      %add3A_720 = arith.constant 64 : i32
      %add3A_721 = arith.addi %add3A_719, %add3A_720 : i32
      %get3A_722 = arith.index_cast %add3A_721 : i32 to index
      %get3A_723 = tpu.vector_load %arg4[%get3A_722] {strides = array<i32>} : memref<3488xi32, #tpu.memory_space<vmem>>, vector<16xi32>,
      %add3A_724 = arith.constant 8192 : i32
      %add3A_725 = vector.broadcast %add3A_724 : i32 to vector<16xi32>
      %add3A_726 = arith.addi %mul3A_12, %add3A_725 : vector<16xi32>
      %add3A_727 = arith.addi %add3A_726, %get3A_723 : vector<16xi32>
      tpu.vector_store_idx %arg5[%add3A_727], %broadcast_in_dim3A_15 : memref<28672xi32, #tpu.memory_space<vmem>>[vector<16xi32>], vector<16xi32>,
      %mul3A_728 = arith.constant 224 : i32
      %mul3A_729 = arith.muli %sub3A_672, %mul3A_728 : i32
      %add3A_730 = arith.addi %sub3A, %mul3A_729 : i32
      %add3A_731 = arith.constant 80 : i32
      %add3A_732 = arith.addi %add3A_730, %add3A_731 : i32
      %get3A_733 = arith.index_cast %add3A_732 : i32 to index
      %get3A_734 = tpu.vector_load %arg4[%get3A_733] {strides = array<i32>} : memref<3488xi32, #tpu.memory_space<vmem>>, vector<16xi32>,
      %add3A_735 = arith.constant 10240 : i32
      %add3A_736 = vector.broadcast %add3A_735 : i32 to vector<16xi32>
      %add3A_737 = arith.addi %mul3A_12, %add3A_736 : vector<16xi32>
      %add3A_738 = arith.addi %add3A_737, %get3A_734 : vector<16xi32>
      tpu.vector_store_idx %arg5[%add3A_738], %broadcast_in_dim3A_15 : memref<28672xi32, #tpu.memory_space<vmem>>[vector<16xi32>], vector<16xi32>,
      %mul3A_739 = arith.constant 224 : i32
      %mul3A_740 = arith.muli %sub3A_672, %mul3A_739 : i32
      %add3A_741 = arith.addi %sub3A, %mul3A_740 : i32
      %add3A_742 = arith.constant 96 : i32
      %add3A_743 = arith.addi %add3A_741, %add3A_742 : i32
      %get3A_744 = arith.index_cast %add3A_743 : i32 to index
      %get3A_745 = tpu.vector_load %arg4[%get3A_744] {strides = array<i32>} : memref<3488xi32, #tpu.memory_space<vmem>>, vector<16xi32>,
      %add3A_746 = arith.constant 12288 : i32
      %add3A_747 = vector.broadcast %add3A_746 : i32 to vector<16xi32>
      %add3A_748 = arith.addi %mul3A_12, %add3A_747 : vector<16xi32>
      %add3A_749 = arith.addi %add3A_748, %get3A_745 : vector<16xi32>
      tpu.vector_store_idx %arg5[%add3A_749], %broadcast_in_dim3A_15 : memref<28672xi32, #tpu.memory_space<vmem>>[vector<16xi32>], vector<16xi32>,
      %mul3A_750 = arith.constant 224 : i32
      %mul3A_751 = arith.muli %sub3A_672, %mul3A_750 : i32
      %add3A_752 = arith.addi %sub3A, %mul3A_751 : i32
      %add3A_753 = arith.constant 112 : i32
      %add3A_754 = arith.addi %add3A_752, %add3A_753 : i32
      %get3A_755 = arith.index_cast %add3A_754 : i32 to index
      %get3A_756 = tpu.vector_load %arg4[%get3A_755] {strides = array<i32>} : memref<3488xi32, #tpu.memory_space<vmem>>, vector<16xi32>,
      %add3A_757 = arith.constant 14336 : i32
      %add3A_758 = vector.broadcast %add3A_757 : i32 to vector<16xi32>
      %add3A_759 = arith.addi %mul3A_12, %add3A_758 : vector<16xi32>
      %add3A_760 = arith.addi %add3A_759, %get3A_756 : vector<16xi32>
      tpu.vector_store_idx %arg5[%add3A_760], %broadcast_in_dim3A_15 : memref<28672xi32, #tpu.memory_space<vmem>>[vector<16xi32>], vector<16xi32>,
      %mul3A_761 = arith.constant 224 : i32
      %mul3A_762 = arith.muli %sub3A_672, %mul3A_761 : i32
      %add3A_763 = arith.addi %sub3A, %mul3A_762 : i32
      %add3A_764 = arith.constant 128 : i32
      %add3A_765 = arith.addi %add3A_763, %add3A_764 : i32
      %get3A_766 = arith.index_cast %add3A_765 : i32 to index
      %get3A_767 = tpu.vector_load %arg4[%get3A_766] {strides = array<i32>} : memref<3488xi32, #tpu.memory_space<vmem>>, vector<16xi32>,
      %add3A_768 = arith.constant 16384 : i32
      %add3A_769 = vector.broadcast %add3A_768 : i32 to vector<16xi32>
      %add3A_770 = arith.addi %mul3A_12, %add3A_769 : vector<16xi32>
      %add3A_771 = arith.addi %add3A_770, %get3A_767 : vector<16xi32>
      tpu.vector_store_idx %arg5[%add3A_771], %broadcast_in_dim3A_15 : memref<28672xi32, #tpu.memory_space<vmem>>[vector<16xi32>], vector<16xi32>,
      %mul3A_772 = arith.constant 224 : i32
      %mul3A_773 = arith.muli %sub3A_672, %mul3A_772 : i32
      %add3A_774 = arith.addi %sub3A, %mul3A_773 : i32
      %add3A_775 = arith.constant 144 : i32
      %add3A_776 = arith.addi %add3A_774, %add3A_775 : i32
      %get3A_777 = arith.index_cast %add3A_776 : i32 to index
      %get3A_778 = tpu.vector_load %arg4[%get3A_777] {strides = array<i32>} : memref<3488xi32, #tpu.memory_space<vmem>>, vector<16xi32>,
      %add3A_779 = arith.constant 18432 : i32
      %add3A_780 = vector.broadcast %add3A_779 : i32 to vector<16xi32>
      %add3A_781 = arith.addi %mul3A_12, %add3A_780 : vector<16xi32>
      %add3A_782 = arith.addi %add3A_781, %get3A_778 : vector<16xi32>
      tpu.vector_store_idx %arg5[%add3A_782], %broadcast_in_dim3A_15 : memref<28672xi32, #tpu.memory_space<vmem>>[vector<16xi32>], vector<16xi32>,
      %mul3A_783 = arith.constant 224 : i32
      %mul3A_784 = arith.muli %sub3A_672, %mul3A_783 : i32
      %add3A_785 = arith.addi %sub3A, %mul3A_784 : i32
      %add3A_786 = arith.constant 160 : i32
      %add3A_787 = arith.addi %add3A_785, %add3A_786 : i32
      %get3A_788 = arith.index_cast %add3A_787 : i32 to index
      %get3A_789 = tpu.vector_load %arg4[%get3A_788] {strides = array<i32>} : memref<3488xi32, #tpu.memory_space<vmem>>, vector<16xi32>,
      %add3A_790 = arith.constant 20480 : i32
      %add3A_791 = vector.broadcast %add3A_790 : i32 to vector<16xi32>
      %add3A_792 = arith.addi %mul3A_12, %add3A_791 : vector<16xi32>
      %add3A_793 = arith.addi %add3A_792, %get3A_789 : vector<16xi32>
      tpu.vector_store_idx %arg5[%add3A_793], %broadcast_in_dim3A_15 : memref<28672xi32, #tpu.memory_space<vmem>>[vector<16xi32>], vector<16xi32>,
      %mul3A_794 = arith.constant 224 : i32
      %mul3A_795 = arith.muli %sub3A_672, %mul3A_794 : i32
      %add3A_796 = arith.addi %sub3A, %mul3A_795 : i32
      %add3A_797 = arith.constant 176 : i32
      %add3A_798 = arith.addi %add3A_796, %add3A_797 : i32
      %get3A_799 = arith.index_cast %add3A_798 : i32 to index
      %get3A_800 = tpu.vector_load %arg4[%get3A_799] {strides = array<i32>} : memref<3488xi32, #tpu.memory_space<vmem>>, vector<16xi32>,
      %add3A_801 = arith.constant 22528 : i32
      %add3A_802 = vector.broadcast %add3A_801 : i32 to vector<16xi32>
      %add3A_803 = arith.addi %mul3A_12, %add3A_802 : vector<16xi32>
      %add3A_804 = arith.addi %add3A_803, %get3A_800 : vector<16xi32>
      tpu.vector_store_idx %arg5[%add3A_804], %broadcast_in_dim3A_15 : memref<28672xi32, #tpu.memory_space<vmem>>[vector<16xi32>], vector<16xi32>,
      %mul3A_805 = arith.constant 224 : i32
      %mul3A_806 = arith.muli %sub3A_672, %mul3A_805 : i32
      %add3A_807 = arith.addi %sub3A, %mul3A_806 : i32
      %add3A_808 = arith.constant 192 : i32
      %add3A_809 = arith.addi %add3A_807, %add3A_808 : i32
      %get3A_810 = arith.index_cast %add3A_809 : i32 to index
      %get3A_811 = tpu.vector_load %arg4[%get3A_810] {strides = array<i32>} : memref<3488xi32, #tpu.memory_space<vmem>>, vector<16xi32>,
      %add3A_812 = arith.constant 24576 : i32
      %add3A_813 = vector.broadcast %add3A_812 : i32 to vector<16xi32>
      %add3A_814 = arith.addi %mul3A_12, %add3A_813 : vector<16xi32>
      %add3A_815 = arith.addi %add3A_814, %get3A_811 : vector<16xi32>
      tpu.vector_store_idx %arg5[%add3A_815], %broadcast_in_dim3A_15 : memref<28672xi32, #tpu.memory_space<vmem>>[vector<16xi32>], vector<16xi32>,
      %mul3A_816 = arith.constant 224 : i32
      %mul3A_817 = arith.muli %sub3A_672, %mul3A_816 : i32
      %add3A_818 = arith.addi %sub3A, %mul3A_817 : i32
      %add3A_819 = arith.constant 208 : i32
      %add3A_820 = arith.addi %add3A_818, %add3A_819 : i32
      %get3A_821 = arith.index_cast %add3A_820 : i32 to index
      %get3A_822 = tpu.vector_load %arg4[%get3A_821] {strides = array<i32>} : memref<3488xi32, #tpu.memory_space<vmem>>, vector<16xi32>,
      %add3A_823 = arith.constant 26624 : i32
      %add3A_824 = vector.broadcast %add3A_823 : i32 to vector<16xi32>
      %add3A_825 = arith.addi %mul3A_12, %add3A_824 : vector<16xi32>
      %add3A_826 = arith.addi %add3A_825, %get3A_822 : vector<16xi32>
      tpu.vector_store_idx %arg5[%add3A_826], %broadcast_in_dim3A_15 : memref<28672xi32, #tpu.memory_space<vmem>>[vector<16xi32>], vector<16xi32>,
      %add3A_827 = arith.constant 0 : i32
      %add3A_828 = arith.addi %add3A_660, %add3A_827 : i32
      %mul3A_829 = arith.constant 224 : i32
      %mul3A_830 = arith.muli %add3A_828, %mul3A_829 : i32
      %add3A_831 = arith.addi %sub3A, %mul3A_830 : i32
      %add3A_832 = arith.constant 0 : i32
      %add3A_833 = arith.addi %add3A_831, %add3A_832 : i32
      %get3A_834 = arith.index_cast %add3A_833 : i32 to index
      %get3A_835 = tpu.vector_load %arg4[%get3A_834] {strides = array<i32>} : memref<3488xi32, #tpu.memory_space<vmem>>, vector<16xi32>,
      %add3A_836 = arith.constant 0 : i32
      %add3A_837 = vector.broadcast %add3A_836 : i32 to vector<16xi32>
      %add3A_838 = arith.addi %mul3A_12, %add3A_837 : vector<16xi32>
      %add3A_839 = arith.addi %add3A_838, %get3A_835 : vector<16xi32>
      tpu.vector_store_idx %arg5[%add3A_839], %broadcast_in_dim3A_13 : memref<28672xi32, #tpu.memory_space<vmem>>[vector<16xi32>], vector<16xi32>,
      %mul3A_840 = arith.constant 224 : i32
      %mul3A_841 = arith.muli %add3A_828, %mul3A_840 : i32
      %add3A_842 = arith.addi %sub3A, %mul3A_841 : i32
      %add3A_843 = arith.constant 16 : i32
      %add3A_844 = arith.addi %add3A_842, %add3A_843 : i32
      %get3A_845 = arith.index_cast %add3A_844 : i32 to index
      %get3A_846 = tpu.vector_load %arg4[%get3A_845] {strides = array<i32>} : memref<3488xi32, #tpu.memory_space<vmem>>, vector<16xi32>,
      %add3A_847 = arith.constant 2048 : i32
      %add3A_848 = vector.broadcast %add3A_847 : i32 to vector<16xi32>
      %add3A_849 = arith.addi %mul3A_12, %add3A_848 : vector<16xi32>
      %add3A_850 = arith.addi %add3A_849, %get3A_846 : vector<16xi32>
      tpu.vector_store_idx %arg5[%add3A_850], %broadcast_in_dim3A_13 : memref<28672xi32, #tpu.memory_space<vmem>>[vector<16xi32>], vector<16xi32>,
      %mul3A_851 = arith.constant 224 : i32
      %mul3A_852 = arith.muli %add3A_828, %mul3A_851 : i32
      %add3A_853 = arith.addi %sub3A, %mul3A_852 : i32
      %add3A_854 = arith.constant 32 : i32
      %add3A_855 = arith.addi %add3A_853, %add3A_854 : i32
      %get3A_856 = arith.index_cast %add3A_855 : i32 to index
      %get3A_857 = tpu.vector_load %arg4[%get3A_856] {strides = array<i32>} : memref<3488xi32, #tpu.memory_space<vmem>>, vector<16xi32>,
      %add3A_858 = arith.constant 4096 : i32
      %add3A_859 = vector.broadcast %add3A_858 : i32 to vector<16xi32>
      %add3A_860 = arith.addi %mul3A_12, %add3A_859 : vector<16xi32>
      %add3A_861 = arith.addi %add3A_860, %get3A_857 : vector<16xi32>
      tpu.vector_store_idx %arg5[%add3A_861], %broadcast_in_dim3A_13 : memref<28672xi32, #tpu.memory_space<vmem>>[vector<16xi32>], vector<16xi32>,
      %mul3A_862 = arith.constant 224 : i32
      %mul3A_863 = arith.muli %add3A_828, %mul3A_862 : i32
      %add3A_864 = arith.addi %sub3A, %mul3A_863 : i32
      %add3A_865 = arith.constant 48 : i32
      %add3A_866 = arith.addi %add3A_864, %add3A_865 : i32
      %get3A_867 = arith.index_cast %add3A_866 : i32 to index
      %get3A_868 = tpu.vector_load %arg4[%get3A_867] {strides = array<i32>} : memref<3488xi32, #tpu.memory_space<vmem>>, vector<16xi32>,
      %add3A_869 = arith.constant 6144 : i32
      %add3A_870 = vector.broadcast %add3A_869 : i32 to vector<16xi32>
      %add3A_871 = arith.addi %mul3A_12, %add3A_870 : vector<16xi32>
      %add3A_872 = arith.addi %add3A_871, %get3A_868 : vector<16xi32>
      tpu.vector_store_idx %arg5[%add3A_872], %broadcast_in_dim3A_13 : memref<28672xi32, #tpu.memory_space<vmem>>[vector<16xi32>], vector<16xi32>,
      %mul3A_873 = arith.constant 224 : i32
      %mul3A_874 = arith.muli %add3A_828, %mul3A_873 : i32
      %add3A_875 = arith.addi %sub3A, %mul3A_874 : i32
      %add3A_876 = arith.constant 64 : i32
      %add3A_877 = arith.addi %add3A_875, %add3A_876 : i32
      %get3A_878 = arith.index_cast %add3A_877 : i32 to index
      %get3A_879 = tpu.vector_load %arg4[%get3A_878] {strides = array<i32>} : memref<3488xi32, #tpu.memory_space<vmem>>, vector<16xi32>,
      %add3A_880 = arith.constant 8192 : i32
      %add3A_881 = vector.broadcast %add3A_880 : i32 to vector<16xi32>
      %add3A_882 = arith.addi %mul3A_12, %add3A_881 : vector<16xi32>
      %add3A_883 = arith.addi %add3A_882, %get3A_879 : vector<16xi32>
      tpu.vector_store_idx %arg5[%add3A_883], %broadcast_in_dim3A_13 : memref<28672xi32, #tpu.memory_space<vmem>>[vector<16xi32>], vector<16xi32>,
      %mul3A_884 = arith.constant 224 : i32
      %mul3A_885 = arith.muli %add3A_828, %mul3A_884 : i32
      %add3A_886 = arith.addi %sub3A, %mul3A_885 : i32
      %add3A_887 = arith.constant 80 : i32
      %add3A_888 = arith.addi %add3A_886, %add3A_887 : i32
      %get3A_889 = arith.index_cast %add3A_888 : i32 to index
      %get3A_890 = tpu.vector_load %arg4[%get3A_889] {strides = array<i32>} : memref<3488xi32, #tpu.memory_space<vmem>>, vector<16xi32>,
      %add3A_891 = arith.constant 10240 : i32
      %add3A_892 = vector.broadcast %add3A_891 : i32 to vector<16xi32>
      %add3A_893 = arith.addi %mul3A_12, %add3A_892 : vector<16xi32>
      %add3A_894 = arith.addi %add3A_893, %get3A_890 : vector<16xi32>
      tpu.vector_store_idx %arg5[%add3A_894], %broadcast_in_dim3A_13 : memref<28672xi32, #tpu.memory_space<vmem>>[vector<16xi32>], vector<16xi32>,
      %mul3A_895 = arith.constant 224 : i32
      %mul3A_896 = arith.muli %add3A_828, %mul3A_895 : i32
      %add3A_897 = arith.addi %sub3A, %mul3A_896 : i32
      %add3A_898 = arith.constant 96 : i32
      %add3A_899 = arith.addi %add3A_897, %add3A_898 : i32
      %get3A_900 = arith.index_cast %add3A_899 : i32 to index
      %get3A_901 = tpu.vector_load %arg4[%get3A_900] {strides = array<i32>} : memref<3488xi32, #tpu.memory_space<vmem>>, vector<16xi32>,
      %add3A_902 = arith.constant 12288 : i32
      %add3A_903 = vector.broadcast %add3A_902 : i32 to vector<16xi32>
      %add3A_904 = arith.addi %mul3A_12, %add3A_903 : vector<16xi32>
      %add3A_905 = arith.addi %add3A_904, %get3A_901 : vector<16xi32>
      tpu.vector_store_idx %arg5[%add3A_905], %broadcast_in_dim3A_13 : memref<28672xi32, #tpu.memory_space<vmem>>[vector<16xi32>], vector<16xi32>,
      %mul3A_906 = arith.constant 224 : i32
      %mul3A_907 = arith.muli %add3A_828, %mul3A_906 : i32
      %add3A_908 = arith.addi %sub3A, %mul3A_907 : i32
      %add3A_909 = arith.constant 112 : i32
      %add3A_910 = arith.addi %add3A_908, %add3A_909 : i32
      %get3A_911 = arith.index_cast %add3A_910 : i32 to index
      %get3A_912 = tpu.vector_load %arg4[%get3A_911] {strides = array<i32>} : memref<3488xi32, #tpu.memory_space<vmem>>, vector<16xi32>,
      %add3A_913 = arith.constant 14336 : i32
      %add3A_914 = vector.broadcast %add3A_913 : i32 to vector<16xi32>
      %add3A_915 = arith.addi %mul3A_12, %add3A_914 : vector<16xi32>
      %add3A_916 = arith.addi %add3A_915, %get3A_912 : vector<16xi32>
      tpu.vector_store_idx %arg5[%add3A_916], %broadcast_in_dim3A_13 : memref<28672xi32, #tpu.memory_space<vmem>>[vector<16xi32>], vector<16xi32>,
      %mul3A_917 = arith.constant 224 : i32
      %mul3A_918 = arith.muli %add3A_828, %mul3A_917 : i32
      %add3A_919 = arith.addi %sub3A, %mul3A_918 : i32
      %add3A_920 = arith.constant 128 : i32
      %add3A_921 = arith.addi %add3A_919, %add3A_920 : i32
      %get3A_922 = arith.index_cast %add3A_921 : i32 to index
      %get3A_923 = tpu.vector_load %arg4[%get3A_922] {strides = array<i32>} : memref<3488xi32, #tpu.memory_space<vmem>>, vector<16xi32>,
      %add3A_924 = arith.constant 16384 : i32
      %add3A_925 = vector.broadcast %add3A_924 : i32 to vector<16xi32>
      %add3A_926 = arith.addi %mul3A_12, %add3A_925 : vector<16xi32>
      %add3A_927 = arith.addi %add3A_926, %get3A_923 : vector<16xi32>
      tpu.vector_store_idx %arg5[%add3A_927], %broadcast_in_dim3A_13 : memref<28672xi32, #tpu.memory_space<vmem>>[vector<16xi32>], vector<16xi32>,
      %mul3A_928 = arith.constant 224 : i32
      %mul3A_929 = arith.muli %add3A_828, %mul3A_928 : i32
      %add3A_930 = arith.addi %sub3A, %mul3A_929 : i32
      %add3A_931 = arith.constant 144 : i32
      %add3A_932 = arith.addi %add3A_930, %add3A_931 : i32
      %get3A_933 = arith.index_cast %add3A_932 : i32 to index
      %get3A_934 = tpu.vector_load %arg4[%get3A_933] {strides = array<i32>} : memref<3488xi32, #tpu.memory_space<vmem>>, vector<16xi32>,
      %add3A_935 = arith.constant 18432 : i32
      %add3A_936 = vector.broadcast %add3A_935 : i32 to vector<16xi32>
      %add3A_937 = arith.addi %mul3A_12, %add3A_936 : vector<16xi32>
      %add3A_938 = arith.addi %add3A_937, %get3A_934 : vector<16xi32>
      tpu.vector_store_idx %arg5[%add3A_938], %broadcast_in_dim3A_13 : memref<28672xi32, #tpu.memory_space<vmem>>[vector<16xi32>], vector<16xi32>,
      %mul3A_939 = arith.constant 224 : i32
      %mul3A_940 = arith.muli %add3A_828, %mul3A_939 : i32
      %add3A_941 = arith.addi %sub3A, %mul3A_940 : i32
      %add3A_942 = arith.constant 160 : i32
      %add3A_943 = arith.addi %add3A_941, %add3A_942 : i32
      %get3A_944 = arith.index_cast %add3A_943 : i32 to index
      %get3A_945 = tpu.vector_load %arg4[%get3A_944] {strides = array<i32>} : memref<3488xi32, #tpu.memory_space<vmem>>, vector<16xi32>,
      %add3A_946 = arith.constant 20480 : i32
      %add3A_947 = vector.broadcast %add3A_946 : i32 to vector<16xi32>
      %add3A_948 = arith.addi %mul3A_12, %add3A_947 : vector<16xi32>
      %add3A_949 = arith.addi %add3A_948, %get3A_945 : vector<16xi32>
      tpu.vector_store_idx %arg5[%add3A_949], %broadcast_in_dim3A_13 : memref<28672xi32, #tpu.memory_space<vmem>>[vector<16xi32>], vector<16xi32>,
      %mul3A_950 = arith.constant 224 : i32
      %mul3A_951 = arith.muli %add3A_828, %mul3A_950 : i32
      %add3A_952 = arith.addi %sub3A, %mul3A_951 : i32
      %add3A_953 = arith.constant 176 : i32
      %add3A_954 = arith.addi %add3A_952, %add3A_953 : i32
      %get3A_955 = arith.index_cast %add3A_954 : i32 to index
      %get3A_956 = tpu.vector_load %arg4[%get3A_955] {strides = array<i32>} : memref<3488xi32, #tpu.memory_space<vmem>>, vector<16xi32>,
      %add3A_957 = arith.constant 22528 : i32
      %add3A_958 = vector.broadcast %add3A_957 : i32 to vector<16xi32>
      %add3A_959 = arith.addi %mul3A_12, %add3A_958 : vector<16xi32>
      %add3A_960 = arith.addi %add3A_959, %get3A_956 : vector<16xi32>
      tpu.vector_store_idx %arg5[%add3A_960], %broadcast_in_dim3A_13 : memref<28672xi32, #tpu.memory_space<vmem>>[vector<16xi32>], vector<16xi32>,
      %mul3A_961 = arith.constant 224 : i32
      %mul3A_962 = arith.muli %add3A_828, %mul3A_961 : i32
      %add3A_963 = arith.addi %sub3A, %mul3A_962 : i32
      %add3A_964 = arith.constant 192 : i32
      %add3A_965 = arith.addi %add3A_963, %add3A_964 : i32
      %get3A_966 = arith.index_cast %add3A_965 : i32 to index
      %get3A_967 = tpu.vector_load %arg4[%get3A_966] {strides = array<i32>} : memref<3488xi32, #tpu.memory_space<vmem>>, vector<16xi32>,
      %add3A_968 = arith.constant 24576 : i32
      %add3A_969 = vector.broadcast %add3A_968 : i32 to vector<16xi32>
      %add3A_970 = arith.addi %mul3A_12, %add3A_969 : vector<16xi32>
      %add3A_971 = arith.addi %add3A_970, %get3A_967 : vector<16xi32>
      tpu.vector_store_idx %arg5[%add3A_971], %broadcast_in_dim3A_13 : memref<28672xi32, #tpu.memory_space<vmem>>[vector<16xi32>], vector<16xi32>,
      %mul3A_972 = arith.constant 224 : i32
      %mul3A_973 = arith.muli %add3A_828, %mul3A_972 : i32
      %add3A_974 = arith.addi %sub3A, %mul3A_973 : i32
      %add3A_975 = arith.constant 208 : i32
      %add3A_976 = arith.addi %add3A_974, %add3A_975 : i32
      %get3A_977 = arith.index_cast %add3A_976 : i32 to index
      %get3A_978 = tpu.vector_load %arg4[%get3A_977] {strides = array<i32>} : memref<3488xi32, #tpu.memory_space<vmem>>, vector<16xi32>,
      %add3A_979 = arith.constant 26624 : i32
      %add3A_980 = vector.broadcast %add3A_979 : i32 to vector<16xi32>
      %add3A_981 = arith.addi %mul3A_12, %add3A_980 : vector<16xi32>
      %add3A_982 = arith.addi %add3A_981, %get3A_978 : vector<16xi32>
      tpu.vector_store_idx %arg5[%add3A_982], %broadcast_in_dim3A_13 : memref<28672xi32, #tpu.memory_space<vmem>>[vector<16xi32>], vector<16xi32>,
      %add3A_983 = arith.constant 0 : i32
      %add3A_984 = arith.addi %add3A_660, %add3A_983 : i32
      %mul3A_985 = arith.constant 224 : i32
      %mul3A_986 = arith.muli %add3A_984, %mul3A_985 : i32
      %add3A_987 = arith.addi %mul3A_3, %mul3A_986 : i32
      %mul3A_988 = arith.constant 128 : i32
      %mul3A_989 = arith.muli %add3A_987, %mul3A_988 : i32
      %dma_start3A_990 = arith.constant 0 : i32
      %dma_start3A_991 = tpu.memref_slice %arg5[%dma_start3A_990] : memref<28672xi32, #tpu.memory_space<vmem>> -> memref<28672xi32, #tpu.memory_space<vmem>>
      %dma_start3A_992 = tpu.memref_slice %arg3[%mul3A_989] : memref<12800000xi32, #tpu.memory_space<hbm>> -> memref<28672xi32, #tpu.memory_space<hbm>>
      %dma_start3A_993 = tpu.memref_slice %arg3[%mul3A_989] : memref<12800000xi32, #tpu.memory_space<hbm>> -> memref<28672xi32, #tpu.memory_space<hbm>>
      %dma_start3A_994 = arith.constant 0 : i32
      %dma_start3A_995 = tpu.memref_slice %arg5[%dma_start3A_994] : memref<28672xi32, #tpu.memory_space<vmem>> -> memref<28672xi32, #tpu.memory_space<vmem>>
      tpu.enqueue_dma source(%dma_start3A_995 : memref<28672xi32, #tpu.memory_space<vmem>>) target(%dma_start3A_993 : memref<28672xi32, #tpu.memory_space<hbm>>) target_semaphore(%arg7 : memref<!tpu.dma_semaphore, #tpu.memory_space<semaphore_mem>>)
      %dma_wait3A_996 = arith.constant 0 : i32
      %dma_wait3A_997 = tpu.memref_slice %arg6[%dma_wait3A_996] : memref<28672xi32, #tpu.memory_space<vmem>> -> memref<28672xi32, #tpu.memory_space<vmem>>
      %dma_wait3A_998 = arith.constant 0 : i32
      %dma_wait3A_999 = tpu.memref_slice %arg3[%dma_wait3A_998] : memref<12800000xi32, #tpu.memory_space<hbm>> -> memref<28672xi32, #tpu.memory_space<hbm>>
      %dma_wait3A_1000 = arith.constant 0 : i32
      %dma_wait3A_1001 = tpu.memref_slice %arg3[%dma_wait3A_1000] : memref<12800000xi32, #tpu.memory_space<hbm>> -> memref<28672xi32, #tpu.memory_space<hbm>>
      %dma_wait3A_1002 = arith.constant 0 : i32
      %dma_wait3A_1003 = tpu.memref_slice %arg6[%dma_wait3A_1002] : memref<28672xi32, #tpu.memory_space<vmem>> -> memref<28672xi32, #tpu.memory_space<vmem>>
      tpu.wait_dma2 semaphore(%arg8 : memref<!tpu.dma_semaphore, #tpu.memory_space<semaphore_mem>>) src(%dma_wait3A_1003 : memref<28672xi32, #tpu.memory_space<vmem>>) dst(%dma_wait3A_1001 : memref<28672xi32, #tpu.memory_space<hbm>>)
      %add3A_1004 = arith.constant 1 : i32
      %add3A_1005 = arith.addi %add3A_660, %add3A_1004 : i32
      %sub3A_1006 = arith.constant 2 : i32
      %sub3A_1007 = arith.subi %add3A_1005, %sub3A_1006 : i32
      %mul3A_1008 = arith.constant 224 : i32
      %mul3A_1009 = arith.muli %sub3A_1007, %mul3A_1008 : i32
      %add3A_1010 = arith.addi %sub3A, %mul3A_1009 : i32
      %add3A_1011 = arith.constant 0 : i32
      %add3A_1012 = arith.addi %add3A_1010, %add3A_1011 : i32
      %get3A_1013 = arith.index_cast %add3A_1012 : i32 to index
      %get3A_1014 = tpu.vector_load %arg4[%get3A_1013] {strides = array<i32>} : memref<3488xi32, #tpu.memory_space<vmem>>, vector<16xi32>,
      %add3A_1015 = arith.constant 0 : i32
      %add3A_1016 = vector.broadcast %add3A_1015 : i32 to vector<16xi32>
      %add3A_1017 = arith.addi %mul3A_12, %add3A_1016 : vector<16xi32>
      %add3A_1018 = arith.addi %add3A_1017, %get3A_1014 : vector<16xi32>
      tpu.vector_store_idx %arg6[%add3A_1018], %broadcast_in_dim3A_15 : memref<28672xi32, #tpu.memory_space<vmem>>[vector<16xi32>], vector<16xi32>,
      %mul3A_1019 = arith.constant 224 : i32
      %mul3A_1020 = arith.muli %sub3A_1007, %mul3A_1019 : i32
      %add3A_1021 = arith.addi %sub3A, %mul3A_1020 : i32
      %add3A_1022 = arith.constant 16 : i32
      %add3A_1023 = arith.addi %add3A_1021, %add3A_1022 : i32
      %get3A_1024 = arith.index_cast %add3A_1023 : i32 to index
      %get3A_1025 = tpu.vector_load %arg4[%get3A_1024] {strides = array<i32>} : memref<3488xi32, #tpu.memory_space<vmem>>, vector<16xi32>,
      %add3A_1026 = arith.constant 2048 : i32
      %add3A_1027 = vector.broadcast %add3A_1026 : i32 to vector<16xi32>
      %add3A_1028 = arith.addi %mul3A_12, %add3A_1027 : vector<16xi32>
      %add3A_1029 = arith.addi %add3A_1028, %get3A_1025 : vector<16xi32>
      tpu.vector_store_idx %arg6[%add3A_1029], %broadcast_in_dim3A_15 : memref<28672xi32, #tpu.memory_space<vmem>>[vector<16xi32>], vector<16xi32>,
      %mul3A_1030 = arith.constant 224 : i32
      %mul3A_1031 = arith.muli %sub3A_1007, %mul3A_1030 : i32
      %add3A_1032 = arith.addi %sub3A, %mul3A_1031 : i32
      %add3A_1033 = arith.constant 32 : i32
      %add3A_1034 = arith.addi %add3A_1032, %add3A_1033 : i32
      %get3A_1035 = arith.index_cast %add3A_1034 : i32 to index
      %get3A_1036 = tpu.vector_load %arg4[%get3A_1035] {strides = array<i32>} : memref<3488xi32, #tpu.memory_space<vmem>>, vector<16xi32>,
      %add3A_1037 = arith.constant 4096 : i32
      %add3A_1038 = vector.broadcast %add3A_1037 : i32 to vector<16xi32>
      %add3A_1039 = arith.addi %mul3A_12, %add3A_1038 : vector<16xi32>
      %add3A_1040 = arith.addi %add3A_1039, %get3A_1036 : vector<16xi32>
      tpu.vector_store_idx %arg6[%add3A_1040], %broadcast_in_dim3A_15 : memref<28672xi32, #tpu.memory_space<vmem>>[vector<16xi32>], vector<16xi32>,
      %mul3A_1041 = arith.constant 224 : i32
      %mul3A_1042 = arith.muli %sub3A_1007, %mul3A_1041 : i32
      %add3A_1043 = arith.addi %sub3A, %mul3A_1042 : i32
      %add3A_1044 = arith.constant 48 : i32
      %add3A_1045 = arith.addi %add3A_1043, %add3A_1044 : i32
      %get3A_1046 = arith.index_cast %add3A_1045 : i32 to index
      %get3A_1047 = tpu.vector_load %arg4[%get3A_1046] {strides = array<i32>} : memref<3488xi32, #tpu.memory_space<vmem>>, vector<16xi32>,
      %add3A_1048 = arith.constant 6144 : i32
      %add3A_1049 = vector.broadcast %add3A_1048 : i32 to vector<16xi32>
      %add3A_1050 = arith.addi %mul3A_12, %add3A_1049 : vector<16xi32>
      %add3A_1051 = arith.addi %add3A_1050, %get3A_1047 : vector<16xi32>
      tpu.vector_store_idx %arg6[%add3A_1051], %broadcast_in_dim3A_15 : memref<28672xi32, #tpu.memory_space<vmem>>[vector<16xi32>], vector<16xi32>,
      %mul3A_1052 = arith.constant 224 : i32
      %mul3A_1053 = arith.muli %sub3A_1007, %mul3A_1052 : i32
      %add3A_1054 = arith.addi %sub3A, %mul3A_1053 : i32
      %add3A_1055 = arith.constant 64 : i32
      %add3A_1056 = arith.addi %add3A_1054, %add3A_1055 : i32
      %get3A_1057 = arith.index_cast %add3A_1056 : i32 to index
      %get3A_1058 = tpu.vector_load %arg4[%get3A_1057] {strides = array<i32>} : memref<3488xi32, #tpu.memory_space<vmem>>, vector<16xi32>,
      %add3A_1059 = arith.constant 8192 : i32
      %add3A_1060 = vector.broadcast %add3A_1059 : i32 to vector<16xi32>
      %add3A_1061 = arith.addi %mul3A_12, %add3A_1060 : vector<16xi32>
      %add3A_1062 = arith.addi %add3A_1061, %get3A_1058 : vector<16xi32>
      tpu.vector_store_idx %arg6[%add3A_1062], %broadcast_in_dim3A_15 : memref<28672xi32, #tpu.memory_space<vmem>>[vector<16xi32>], vector<16xi32>,
      %mul3A_1063 = arith.constant 224 : i32
      %mul3A_1064 = arith.muli %sub3A_1007, %mul3A_1063 : i32
      %add3A_1065 = arith.addi %sub3A, %mul3A_1064 : i32
      %add3A_1066 = arith.constant 80 : i32
      %add3A_1067 = arith.addi %add3A_1065, %add3A_1066 : i32
      %get3A_1068 = arith.index_cast %add3A_1067 : i32 to index
      %get3A_1069 = tpu.vector_load %arg4[%get3A_1068] {strides = array<i32>} : memref<3488xi32, #tpu.memory_space<vmem>>, vector<16xi32>,
      %add3A_1070 = arith.constant 10240 : i32
      %add3A_1071 = vector.broadcast %add3A_1070 : i32 to vector<16xi32>
      %add3A_1072 = arith.addi %mul3A_12, %add3A_1071 : vector<16xi32>
      %add3A_1073 = arith.addi %add3A_1072, %get3A_1069 : vector<16xi32>
      tpu.vector_store_idx %arg6[%add3A_1073], %broadcast_in_dim3A_15 : memref<28672xi32, #tpu.memory_space<vmem>>[vector<16xi32>], vector<16xi32>,
      %mul3A_1074 = arith.constant 224 : i32
      %mul3A_1075 = arith.muli %sub3A_1007, %mul3A_1074 : i32
      %add3A_1076 = arith.addi %sub3A, %mul3A_1075 : i32
      %add3A_1077 = arith.constant 96 : i32
      %add3A_1078 = arith.addi %add3A_1076, %add3A_1077 : i32
      %get3A_1079 = arith.index_cast %add3A_1078 : i32 to index
      %get3A_1080 = tpu.vector_load %arg4[%get3A_1079] {strides = array<i32>} : memref<3488xi32, #tpu.memory_space<vmem>>, vector<16xi32>,
      %add3A_1081 = arith.constant 12288 : i32
      %add3A_1082 = vector.broadcast %add3A_1081 : i32 to vector<16xi32>
      %add3A_1083 = arith.addi %mul3A_12, %add3A_1082 : vector<16xi32>
      %add3A_1084 = arith.addi %add3A_1083, %get3A_1080 : vector<16xi32>
      tpu.vector_store_idx %arg6[%add3A_1084], %broadcast_in_dim3A_15 : memref<28672xi32, #tpu.memory_space<vmem>>[vector<16xi32>], vector<16xi32>,
      %mul3A_1085 = arith.constant 224 : i32
      %mul3A_1086 = arith.muli %sub3A_1007, %mul3A_1085 : i32
      %add3A_1087 = arith.addi %sub3A, %mul3A_1086 : i32
      %add3A_1088 = arith.constant 112 : i32
      %add3A_1089 = arith.addi %add3A_1087, %add3A_1088 : i32
      %get3A_1090 = arith.index_cast %add3A_1089 : i32 to index
      %get3A_1091 = tpu.vector_load %arg4[%get3A_1090] {strides = array<i32>} : memref<3488xi32, #tpu.memory_space<vmem>>, vector<16xi32>,
      %add3A_1092 = arith.constant 14336 : i32
      %add3A_1093 = vector.broadcast %add3A_1092 : i32 to vector<16xi32>
      %add3A_1094 = arith.addi %mul3A_12, %add3A_1093 : vector<16xi32>
      %add3A_1095 = arith.addi %add3A_1094, %get3A_1091 : vector<16xi32>
      tpu.vector_store_idx %arg6[%add3A_1095], %broadcast_in_dim3A_15 : memref<28672xi32, #tpu.memory_space<vmem>>[vector<16xi32>], vector<16xi32>,
      %mul3A_1096 = arith.constant 224 : i32
      %mul3A_1097 = arith.muli %sub3A_1007, %mul3A_1096 : i32
      %add3A_1098 = arith.addi %sub3A, %mul3A_1097 : i32
      %add3A_1099 = arith.constant 128 : i32
      %add3A_1100 = arith.addi %add3A_1098, %add3A_1099 : i32
      %get3A_1101 = arith.index_cast %add3A_1100 : i32 to index
      %get3A_1102 = tpu.vector_load %arg4[%get3A_1101] {strides = array<i32>} : memref<3488xi32, #tpu.memory_space<vmem>>, vector<16xi32>,
      %add3A_1103 = arith.constant 16384 : i32
      %add3A_1104 = vector.broadcast %add3A_1103 : i32 to vector<16xi32>
      %add3A_1105 = arith.addi %mul3A_12, %add3A_1104 : vector<16xi32>
      %add3A_1106 = arith.addi %add3A_1105, %get3A_1102 : vector<16xi32>
      tpu.vector_store_idx %arg6[%add3A_1106], %broadcast_in_dim3A_15 : memref<28672xi32, #tpu.memory_space<vmem>>[vector<16xi32>], vector<16xi32>,
      %mul3A_1107 = arith.constant 224 : i32
      %mul3A_1108 = arith.muli %sub3A_1007, %mul3A_1107 : i32
      %add3A_1109 = arith.addi %sub3A, %mul3A_1108 : i32
      %add3A_1110 = arith.constant 144 : i32
      %add3A_1111 = arith.addi %add3A_1109, %add3A_1110 : i32
      %get3A_1112 = arith.index_cast %add3A_1111 : i32 to index
      %get3A_1113 = tpu.vector_load %arg4[%get3A_1112] {strides = array<i32>} : memref<3488xi32, #tpu.memory_space<vmem>>, vector<16xi32>,
      %add3A_1114 = arith.constant 18432 : i32
      %add3A_1115 = vector.broadcast %add3A_1114 : i32 to vector<16xi32>
      %add3A_1116 = arith.addi %mul3A_12, %add3A_1115 : vector<16xi32>
      %add3A_1117 = arith.addi %add3A_1116, %get3A_1113 : vector<16xi32>
      tpu.vector_store_idx %arg6[%add3A_1117], %broadcast_in_dim3A_15 : memref<28672xi32, #tpu.memory_space<vmem>>[vector<16xi32>], vector<16xi32>,
      %mul3A_1118 = arith.constant 224 : i32
      %mul3A_1119 = arith.muli %sub3A_1007, %mul3A_1118 : i32
      %add3A_1120 = arith.addi %sub3A, %mul3A_1119 : i32
      %add3A_1121 = arith.constant 160 : i32
      %add3A_1122 = arith.addi %add3A_1120, %add3A_1121 : i32
      %get3A_1123 = arith.index_cast %add3A_1122 : i32 to index
      %get3A_1124 = tpu.vector_load %arg4[%get3A_1123] {strides = array<i32>} : memref<3488xi32, #tpu.memory_space<vmem>>, vector<16xi32>,
      %add3A_1125 = arith.constant 20480 : i32
      %add3A_1126 = vector.broadcast %add3A_1125 : i32 to vector<16xi32>
      %add3A_1127 = arith.addi %mul3A_12, %add3A_1126 : vector<16xi32>
      %add3A_1128 = arith.addi %add3A_1127, %get3A_1124 : vector<16xi32>
      tpu.vector_store_idx %arg6[%add3A_1128], %broadcast_in_dim3A_15 : memref<28672xi32, #tpu.memory_space<vmem>>[vector<16xi32>], vector<16xi32>,
      %mul3A_1129 = arith.constant 224 : i32
      %mul3A_1130 = arith.muli %sub3A_1007, %mul3A_1129 : i32
      %add3A_1131 = arith.addi %sub3A, %mul3A_1130 : i32
      %add3A_1132 = arith.constant 176 : i32
      %add3A_1133 = arith.addi %add3A_1131, %add3A_1132 : i32
      %get3A_1134 = arith.index_cast %add3A_1133 : i32 to index
      %get3A_1135 = tpu.vector_load %arg4[%get3A_1134] {strides = array<i32>} : memref<3488xi32, #tpu.memory_space<vmem>>, vector<16xi32>,
      %add3A_1136 = arith.constant 22528 : i32
      %add3A_1137 = vector.broadcast %add3A_1136 : i32 to vector<16xi32>
      %add3A_1138 = arith.addi %mul3A_12, %add3A_1137 : vector<16xi32>
      %add3A_1139 = arith.addi %add3A_1138, %get3A_1135 : vector<16xi32>
      tpu.vector_store_idx %arg6[%add3A_1139], %broadcast_in_dim3A_15 : memref<28672xi32, #tpu.memory_space<vmem>>[vector<16xi32>], vector<16xi32>,
      %mul3A_1140 = arith.constant 224 : i32
      %mul3A_1141 = arith.muli %sub3A_1007, %mul3A_1140 : i32
      %add3A_1142 = arith.addi %sub3A, %mul3A_1141 : i32
      %add3A_1143 = arith.constant 192 : i32
      %add3A_1144 = arith.addi %add3A_1142, %add3A_1143 : i32
      %get3A_1145 = arith.index_cast %add3A_1144 : i32 to index
      %get3A_1146 = tpu.vector_load %arg4[%get3A_1145] {strides = array<i32>} : memref<3488xi32, #tpu.memory_space<vmem>>, vector<16xi32>,
      %add3A_1147 = arith.constant 24576 : i32
      %add3A_1148 = vector.broadcast %add3A_1147 : i32 to vector<16xi32>
      %add3A_1149 = arith.addi %mul3A_12, %add3A_1148 : vector<16xi32>
      %add3A_1150 = arith.addi %add3A_1149, %get3A_1146 : vector<16xi32>
      tpu.vector_store_idx %arg6[%add3A_1150], %broadcast_in_dim3A_15 : memref<28672xi32, #tpu.memory_space<vmem>>[vector<16xi32>], vector<16xi32>,
      %mul3A_1151 = arith.constant 224 : i32
      %mul3A_1152 = arith.muli %sub3A_1007, %mul3A_1151 : i32
      %add3A_1153 = arith.addi %sub3A, %mul3A_1152 : i32
      %add3A_1154 = arith.constant 208 : i32
      %add3A_1155 = arith.addi %add3A_1153, %add3A_1154 : i32
      %get3A_1156 = arith.index_cast %add3A_1155 : i32 to index
      %get3A_1157 = tpu.vector_load %arg4[%get3A_1156] {strides = array<i32>} : memref<3488xi32, #tpu.memory_space<vmem>>, vector<16xi32>,
      %add3A_1158 = arith.constant 26624 : i32
      %add3A_1159 = vector.broadcast %add3A_1158 : i32 to vector<16xi32>
      %add3A_1160 = arith.addi %mul3A_12, %add3A_1159 : vector<16xi32>
      %add3A_1161 = arith.addi %add3A_1160, %get3A_1157 : vector<16xi32>
      tpu.vector_store_idx %arg6[%add3A_1161], %broadcast_in_dim3A_15 : memref<28672xi32, #tpu.memory_space<vmem>>[vector<16xi32>], vector<16xi32>,
      %add3A_1162 = arith.constant 1 : i32
      %add3A_1163 = arith.addi %add3A_660, %add3A_1162 : i32
      %mul3A_1164 = arith.constant 224 : i32
      %mul3A_1165 = arith.muli %add3A_1163, %mul3A_1164 : i32
      %add3A_1166 = arith.addi %sub3A, %mul3A_1165 : i32
      %add3A_1167 = arith.constant 0 : i32
      %add3A_1168 = arith.addi %add3A_1166, %add3A_1167 : i32
      %get3A_1169 = arith.index_cast %add3A_1168 : i32 to index
      %get3A_1170 = tpu.vector_load %arg4[%get3A_1169] {strides = array<i32>} : memref<3488xi32, #tpu.memory_space<vmem>>, vector<16xi32>,
      %add3A_1171 = arith.constant 0 : i32
      %add3A_1172 = vector.broadcast %add3A_1171 : i32 to vector<16xi32>
      %add3A_1173 = arith.addi %mul3A_12, %add3A_1172 : vector<16xi32>
      %add3A_1174 = arith.addi %add3A_1173, %get3A_1170 : vector<16xi32>
      tpu.vector_store_idx %arg6[%add3A_1174], %broadcast_in_dim3A_13 : memref<28672xi32, #tpu.memory_space<vmem>>[vector<16xi32>], vector<16xi32>,
      %mul3A_1175 = arith.constant 224 : i32
      %mul3A_1176 = arith.muli %add3A_1163, %mul3A_1175 : i32
      %add3A_1177 = arith.addi %sub3A, %mul3A_1176 : i32
      %add3A_1178 = arith.constant 16 : i32
      %add3A_1179 = arith.addi %add3A_1177, %add3A_1178 : i32
      %get3A_1180 = arith.index_cast %add3A_1179 : i32 to index
      %get3A_1181 = tpu.vector_load %arg4[%get3A_1180] {strides = array<i32>} : memref<3488xi32, #tpu.memory_space<vmem>>, vector<16xi32>,
      %add3A_1182 = arith.constant 2048 : i32
      %add3A_1183 = vector.broadcast %add3A_1182 : i32 to vector<16xi32>
      %add3A_1184 = arith.addi %mul3A_12, %add3A_1183 : vector<16xi32>
      %add3A_1185 = arith.addi %add3A_1184, %get3A_1181 : vector<16xi32>
      tpu.vector_store_idx %arg6[%add3A_1185], %broadcast_in_dim3A_13 : memref<28672xi32, #tpu.memory_space<vmem>>[vector<16xi32>], vector<16xi32>,
      %mul3A_1186 = arith.constant 224 : i32
      %mul3A_1187 = arith.muli %add3A_1163, %mul3A_1186 : i32
      %add3A_1188 = arith.addi %sub3A, %mul3A_1187 : i32
      %add3A_1189 = arith.constant 32 : i32
      %add3A_1190 = arith.addi %add3A_1188, %add3A_1189 : i32
      %get3A_1191 = arith.index_cast %add3A_1190 : i32 to index
      %get3A_1192 = tpu.vector_load %arg4[%get3A_1191] {strides = array<i32>} : memref<3488xi32, #tpu.memory_space<vmem>>, vector<16xi32>,
      %add3A_1193 = arith.constant 4096 : i32
      %add3A_1194 = vector.broadcast %add3A_1193 : i32 to vector<16xi32>
      %add3A_1195 = arith.addi %mul3A_12, %add3A_1194 : vector<16xi32>
      %add3A_1196 = arith.addi %add3A_1195, %get3A_1192 : vector<16xi32>
      tpu.vector_store_idx %arg6[%add3A_1196], %broadcast_in_dim3A_13 : memref<28672xi32, #tpu.memory_space<vmem>>[vector<16xi32>], vector<16xi32>,
      %mul3A_1197 = arith.constant 224 : i32
      %mul3A_1198 = arith.muli %add3A_1163, %mul3A_1197 : i32
      %add3A_1199 = arith.addi %sub3A, %mul3A_1198 : i32
      %add3A_1200 = arith.constant 48 : i32
      %add3A_1201 = arith.addi %add3A_1199, %add3A_1200 : i32
      %get3A_1202 = arith.index_cast %add3A_1201 : i32 to index
      %get3A_1203 = tpu.vector_load %arg4[%get3A_1202] {strides = array<i32>} : memref<3488xi32, #tpu.memory_space<vmem>>, vector<16xi32>,
      %add3A_1204 = arith.constant 6144 : i32
      %add3A_1205 = vector.broadcast %add3A_1204 : i32 to vector<16xi32>
      %add3A_1206 = arith.addi %mul3A_12, %add3A_1205 : vector<16xi32>
      %add3A_1207 = arith.addi %add3A_1206, %get3A_1203 : vector<16xi32>
      tpu.vector_store_idx %arg6[%add3A_1207], %broadcast_in_dim3A_13 : memref<28672xi32, #tpu.memory_space<vmem>>[vector<16xi32>], vector<16xi32>,
      %mul3A_1208 = arith.constant 224 : i32
      %mul3A_1209 = arith.muli %add3A_1163, %mul3A_1208 : i32
      %add3A_1210 = arith.addi %sub3A, %mul3A_1209 : i32
      %add3A_1211 = arith.constant 64 : i32
      %add3A_1212 = arith.addi %add3A_1210, %add3A_1211 : i32
      %get3A_1213 = arith.index_cast %add3A_1212 : i32 to index
      %get3A_1214 = tpu.vector_load %arg4[%get3A_1213] {strides = array<i32>} : memref<3488xi32, #tpu.memory_space<vmem>>, vector<16xi32>,
      %add3A_1215 = arith.constant 8192 : i32
      %add3A_1216 = vector.broadcast %add3A_1215 : i32 to vector<16xi32>
      %add3A_1217 = arith.addi %mul3A_12, %add3A_1216 : vector<16xi32>
      %add3A_1218 = arith.addi %add3A_1217, %get3A_1214 : vector<16xi32>
      tpu.vector_store_idx %arg6[%add3A_1218], %broadcast_in_dim3A_13 : memref<28672xi32, #tpu.memory_space<vmem>>[vector<16xi32>], vector<16xi32>,
      %mul3A_1219 = arith.constant 224 : i32
      %mul3A_1220 = arith.muli %add3A_1163, %mul3A_1219 : i32
      %add3A_1221 = arith.addi %sub3A, %mul3A_1220 : i32
      %add3A_1222 = arith.constant 80 : i32
      %add3A_1223 = arith.addi %add3A_1221, %add3A_1222 : i32
      %get3A_1224 = arith.index_cast %add3A_1223 : i32 to index
      %get3A_1225 = tpu.vector_load %arg4[%get3A_1224] {strides = array<i32>} : memref<3488xi32, #tpu.memory_space<vmem>>, vector<16xi32>,
      %add3A_1226 = arith.constant 10240 : i32
      %add3A_1227 = vector.broadcast %add3A_1226 : i32 to vector<16xi32>
      %add3A_1228 = arith.addi %mul3A_12, %add3A_1227 : vector<16xi32>
      %add3A_1229 = arith.addi %add3A_1228, %get3A_1225 : vector<16xi32>
      tpu.vector_store_idx %arg6[%add3A_1229], %broadcast_in_dim3A_13 : memref<28672xi32, #tpu.memory_space<vmem>>[vector<16xi32>], vector<16xi32>,
      %mul3A_1230 = arith.constant 224 : i32
      %mul3A_1231 = arith.muli %add3A_1163, %mul3A_1230 : i32
      %add3A_1232 = arith.addi %sub3A, %mul3A_1231 : i32
      %add3A_1233 = arith.constant 96 : i32
      %add3A_1234 = arith.addi %add3A_1232, %add3A_1233 : i32
      %get3A_1235 = arith.index_cast %add3A_1234 : i32 to index
      %get3A_1236 = tpu.vector_load %arg4[%get3A_1235] {strides = array<i32>} : memref<3488xi32, #tpu.memory_space<vmem>>, vector<16xi32>,
      %add3A_1237 = arith.constant 12288 : i32
      %add3A_1238 = vector.broadcast %add3A_1237 : i32 to vector<16xi32>
      %add3A_1239 = arith.addi %mul3A_12, %add3A_1238 : vector<16xi32>
      %add3A_1240 = arith.addi %add3A_1239, %get3A_1236 : vector<16xi32>
      tpu.vector_store_idx %arg6[%add3A_1240], %broadcast_in_dim3A_13 : memref<28672xi32, #tpu.memory_space<vmem>>[vector<16xi32>], vector<16xi32>,
      %mul3A_1241 = arith.constant 224 : i32
      %mul3A_1242 = arith.muli %add3A_1163, %mul3A_1241 : i32
      %add3A_1243 = arith.addi %sub3A, %mul3A_1242 : i32
      %add3A_1244 = arith.constant 112 : i32
      %add3A_1245 = arith.addi %add3A_1243, %add3A_1244 : i32
      %get3A_1246 = arith.index_cast %add3A_1245 : i32 to index
      %get3A_1247 = tpu.vector_load %arg4[%get3A_1246] {strides = array<i32>} : memref<3488xi32, #tpu.memory_space<vmem>>, vector<16xi32>,
      %add3A_1248 = arith.constant 14336 : i32
      %add3A_1249 = vector.broadcast %add3A_1248 : i32 to vector<16xi32>
      %add3A_1250 = arith.addi %mul3A_12, %add3A_1249 : vector<16xi32>
      %add3A_1251 = arith.addi %add3A_1250, %get3A_1247 : vector<16xi32>
      tpu.vector_store_idx %arg6[%add3A_1251], %broadcast_in_dim3A_13 : memref<28672xi32, #tpu.memory_space<vmem>>[vector<16xi32>], vector<16xi32>,
      %mul3A_1252 = arith.constant 224 : i32
      %mul3A_1253 = arith.muli %add3A_1163, %mul3A_1252 : i32
      %add3A_1254 = arith.addi %sub3A, %mul3A_1253 : i32
      %add3A_1255 = arith.constant 128 : i32
      %add3A_1256 = arith.addi %add3A_1254, %add3A_1255 : i32
      %get3A_1257 = arith.index_cast %add3A_1256 : i32 to index
      %get3A_1258 = tpu.vector_load %arg4[%get3A_1257] {strides = array<i32>} : memref<3488xi32, #tpu.memory_space<vmem>>, vector<16xi32>,
      %add3A_1259 = arith.constant 16384 : i32
      %add3A_1260 = vector.broadcast %add3A_1259 : i32 to vector<16xi32>
      %add3A_1261 = arith.addi %mul3A_12, %add3A_1260 : vector<16xi32>
      %add3A_1262 = arith.addi %add3A_1261, %get3A_1258 : vector<16xi32>
      tpu.vector_store_idx %arg6[%add3A_1262], %broadcast_in_dim3A_13 : memref<28672xi32, #tpu.memory_space<vmem>>[vector<16xi32>], vector<16xi32>,
      %mul3A_1263 = arith.constant 224 : i32
      %mul3A_1264 = arith.muli %add3A_1163, %mul3A_1263 : i32
      %add3A_1265 = arith.addi %sub3A, %mul3A_1264 : i32
      %add3A_1266 = arith.constant 144 : i32
      %add3A_1267 = arith.addi %add3A_1265, %add3A_1266 : i32
      %get3A_1268 = arith.index_cast %add3A_1267 : i32 to index
      %get3A_1269 = tpu.vector_load %arg4[%get3A_1268] {strides = array<i32>} : memref<3488xi32, #tpu.memory_space<vmem>>, vector<16xi32>,
      %add3A_1270 = arith.constant 18432 : i32
      %add3A_1271 = vector.broadcast %add3A_1270 : i32 to vector<16xi32>
      %add3A_1272 = arith.addi %mul3A_12, %add3A_1271 : vector<16xi32>
      %add3A_1273 = arith.addi %add3A_1272, %get3A_1269 : vector<16xi32>
      tpu.vector_store_idx %arg6[%add3A_1273], %broadcast_in_dim3A_13 : memref<28672xi32, #tpu.memory_space<vmem>>[vector<16xi32>], vector<16xi32>,
      %mul3A_1274 = arith.constant 224 : i32
      %mul3A_1275 = arith.muli %add3A_1163, %mul3A_1274 : i32
      %add3A_1276 = arith.addi %sub3A, %mul3A_1275 : i32
      %add3A_1277 = arith.constant 160 : i32
      %add3A_1278 = arith.addi %add3A_1276, %add3A_1277 : i32
      %get3A_1279 = arith.index_cast %add3A_1278 : i32 to index
      %get3A_1280 = tpu.vector_load %arg4[%get3A_1279] {strides = array<i32>} : memref<3488xi32, #tpu.memory_space<vmem>>, vector<16xi32>,
      %add3A_1281 = arith.constant 20480 : i32
      %add3A_1282 = vector.broadcast %add3A_1281 : i32 to vector<16xi32>
      %add3A_1283 = arith.addi %mul3A_12, %add3A_1282 : vector<16xi32>
      %add3A_1284 = arith.addi %add3A_1283, %get3A_1280 : vector<16xi32>
      tpu.vector_store_idx %arg6[%add3A_1284], %broadcast_in_dim3A_13 : memref<28672xi32, #tpu.memory_space<vmem>>[vector<16xi32>], vector<16xi32>,
      %mul3A_1285 = arith.constant 224 : i32
      %mul3A_1286 = arith.muli %add3A_1163, %mul3A_1285 : i32
      %add3A_1287 = arith.addi %sub3A, %mul3A_1286 : i32
      %add3A_1288 = arith.constant 176 : i32
      %add3A_1289 = arith.addi %add3A_1287, %add3A_1288 : i32
      %get3A_1290 = arith.index_cast %add3A_1289 : i32 to index
      %get3A_1291 = tpu.vector_load %arg4[%get3A_1290] {strides = array<i32>} : memref<3488xi32, #tpu.memory_space<vmem>>, vector<16xi32>,
      %add3A_1292 = arith.constant 22528 : i32
      %add3A_1293 = vector.broadcast %add3A_1292 : i32 to vector<16xi32>
      %add3A_1294 = arith.addi %mul3A_12, %add3A_1293 : vector<16xi32>
      %add3A_1295 = arith.addi %add3A_1294, %get3A_1291 : vector<16xi32>
      tpu.vector_store_idx %arg6[%add3A_1295], %broadcast_in_dim3A_13 : memref<28672xi32, #tpu.memory_space<vmem>>[vector<16xi32>], vector<16xi32>,
      %mul3A_1296 = arith.constant 224 : i32
      %mul3A_1297 = arith.muli %add3A_1163, %mul3A_1296 : i32
      %add3A_1298 = arith.addi %sub3A, %mul3A_1297 : i32
      %add3A_1299 = arith.constant 192 : i32
      %add3A_1300 = arith.addi %add3A_1298, %add3A_1299 : i32
      %get3A_1301 = arith.index_cast %add3A_1300 : i32 to index
      %get3A_1302 = tpu.vector_load %arg4[%get3A_1301] {strides = array<i32>} : memref<3488xi32, #tpu.memory_space<vmem>>, vector<16xi32>,
      %add3A_1303 = arith.constant 24576 : i32
      %add3A_1304 = vector.broadcast %add3A_1303 : i32 to vector<16xi32>
      %add3A_1305 = arith.addi %mul3A_12, %add3A_1304 : vector<16xi32>
      %add3A_1306 = arith.addi %add3A_1305, %get3A_1302 : vector<16xi32>
      tpu.vector_store_idx %arg6[%add3A_1306], %broadcast_in_dim3A_13 : memref<28672xi32, #tpu.memory_space<vmem>>[vector<16xi32>], vector<16xi32>,
      %mul3A_1307 = arith.constant 224 : i32
      %mul3A_1308 = arith.muli %add3A_1163, %mul3A_1307 : i32
      %add3A_1309 = arith.addi %sub3A, %mul3A_1308 : i32
      %add3A_1310 = arith.constant 208 : i32
      %add3A_1311 = arith.addi %add3A_1309, %add3A_1310 : i32
      %get3A_1312 = arith.index_cast %add3A_1311 : i32 to index
      %get3A_1313 = tpu.vector_load %arg4[%get3A_1312] {strides = array<i32>} : memref<3488xi32, #tpu.memory_space<vmem>>, vector<16xi32>,
      %add3A_1314 = arith.constant 26624 : i32
      %add3A_1315 = vector.broadcast %add3A_1314 : i32 to vector<16xi32>
      %add3A_1316 = arith.addi %mul3A_12, %add3A_1315 : vector<16xi32>
      %add3A_1317 = arith.addi %add3A_1316, %get3A_1313 : vector<16xi32>
      tpu.vector_store_idx %arg6[%add3A_1317], %broadcast_in_dim3A_13 : memref<28672xi32, #tpu.memory_space<vmem>>[vector<16xi32>], vector<16xi32>,
      %add3A_1318 = arith.constant 1 : i32
      %add3A_1319 = arith.addi %add3A_660, %add3A_1318 : i32
      %mul3A_1320 = arith.constant 224 : i32
      %mul3A_1321 = arith.muli %add3A_1319, %mul3A_1320 : i32
      %add3A_1322 = arith.addi %mul3A_3, %mul3A_1321 : i32
      %mul3A_1323 = arith.constant 128 : i32
      %mul3A_1324 = arith.muli %add3A_1322, %mul3A_1323 : i32
      %dma_start3A_1325 = arith.constant 0 : i32
      %dma_start3A_1326 = tpu.memref_slice %arg6[%dma_start3A_1325] : memref<28672xi32, #tpu.memory_space<vmem>> -> memref<28672xi32, #tpu.memory_space<vmem>>
      %dma_start3A_1327 = tpu.memref_slice %arg3[%mul3A_1324] : memref<12800000xi32, #tpu.memory_space<hbm>> -> memref<28672xi32, #tpu.memory_space<hbm>>
      %dma_start3A_1328 = tpu.memref_slice %arg3[%mul3A_1324] : memref<12800000xi32, #tpu.memory_space<hbm>> -> memref<28672xi32, #tpu.memory_space<hbm>>
      %dma_start3A_1329 = arith.constant 0 : i32
      %dma_start3A_1330 = tpu.memref_slice %arg6[%dma_start3A_1329] : memref<28672xi32, #tpu.memory_space<vmem>> -> memref<28672xi32, #tpu.memory_space<vmem>>
      tpu.enqueue_dma source(%dma_start3A_1330 : memref<28672xi32, #tpu.memory_space<vmem>>) target(%dma_start3A_1328 : memref<28672xi32, #tpu.memory_space<hbm>>) target_semaphore(%arg8 : memref<!tpu.dma_semaphore, #tpu.memory_space<semaphore_mem>>)
    }
    %scan3A_336 = arith.constant 5 : i32
    %dma_wait3A_337 = arith.constant 0 : i32
    %dma_wait3A_338 = tpu.memref_slice %arg5[%dma_wait3A_337] : memref<28672xi32, #tpu.memory_space<vmem>> -> memref<28672xi32, #tpu.memory_space<vmem>>
    %dma_wait3A_339 = arith.constant 0 : i32
    %dma_wait3A_340 = tpu.memref_slice %arg3[%dma_wait3A_339] : memref<12800000xi32, #tpu.memory_space<hbm>> -> memref<28672xi32, #tpu.memory_space<hbm>>
    %dma_wait3A_341 = arith.constant 0 : i32
    %dma_wait3A_342 = tpu.memref_slice %arg3[%dma_wait3A_341] : memref<12800000xi32, #tpu.memory_space<hbm>> -> memref<28672xi32, #tpu.memory_space<hbm>>
    %dma_wait3A_343 = arith.constant 0 : i32
    %dma_wait3A_344 = tpu.memref_slice %arg5[%dma_wait3A_343] : memref<28672xi32, #tpu.memory_space<vmem>> -> memref<28672xi32, #tpu.memory_space<vmem>>
    tpu.wait_dma2 semaphore(%arg7 : memref<!tpu.dma_semaphore, #tpu.memory_space<semaphore_mem>>) src(%dma_wait3A_344 : memref<28672xi32, #tpu.memory_space<vmem>>) dst(%dma_wait3A_342 : memref<28672xi32, #tpu.memory_space<hbm>>)
    %add3A_345 = arith.constant 2240 : i32
    %add3A_346 = arith.addi %sub3A, %add3A_345 : i32
    %add3A_347 = arith.constant 0 : i32
    %add3A_348 = arith.addi %add3A_346, %add3A_347 : i32
    %get3A_349 = arith.index_cast %add3A_348 : i32 to index
    %get3A_350 = tpu.vector_load %arg4[%get3A_349] {strides = array<i32>} : memref<3488xi32, #tpu.memory_space<vmem>>, vector<16xi32>,
    %add3A_351 = arith.constant 0 : i32
    %add3A_352 = vector.broadcast %add3A_351 : i32 to vector<16xi32>
    %add3A_353 = arith.addi %mul3A_12, %add3A_352 : vector<16xi32>
    %add3A_354 = arith.addi %add3A_353, %get3A_350 : vector<16xi32>
    tpu.vector_store_idx %arg5[%add3A_354], %broadcast_in_dim3A_15 : memref<28672xi32, #tpu.memory_space<vmem>>[vector<16xi32>], vector<16xi32>,
    %add3A_355 = arith.constant 2240 : i32
    %add3A_356 = arith.addi %sub3A, %add3A_355 : i32
    %add3A_357 = arith.constant 16 : i32
    %add3A_358 = arith.addi %add3A_356, %add3A_357 : i32
    %get3A_359 = arith.index_cast %add3A_358 : i32 to index
    %get3A_360 = tpu.vector_load %arg4[%get3A_359] {strides = array<i32>} : memref<3488xi32, #tpu.memory_space<vmem>>, vector<16xi32>,
    %add3A_361 = arith.constant 2048 : i32
    %add3A_362 = vector.broadcast %add3A_361 : i32 to vector<16xi32>
    %add3A_363 = arith.addi %mul3A_12, %add3A_362 : vector<16xi32>
    %add3A_364 = arith.addi %add3A_363, %get3A_360 : vector<16xi32>
    tpu.vector_store_idx %arg5[%add3A_364], %broadcast_in_dim3A_15 : memref<28672xi32, #tpu.memory_space<vmem>>[vector<16xi32>], vector<16xi32>,
    %add3A_365 = arith.constant 2240 : i32
    %add3A_366 = arith.addi %sub3A, %add3A_365 : i32
    %add3A_367 = arith.constant 32 : i32
    %add3A_368 = arith.addi %add3A_366, %add3A_367 : i32
    %get3A_369 = arith.index_cast %add3A_368 : i32 to index
    %get3A_370 = tpu.vector_load %arg4[%get3A_369] {strides = array<i32>} : memref<3488xi32, #tpu.memory_space<vmem>>, vector<16xi32>,
    %add3A_371 = arith.constant 4096 : i32
    %add3A_372 = vector.broadcast %add3A_371 : i32 to vector<16xi32>
    %add3A_373 = arith.addi %mul3A_12, %add3A_372 : vector<16xi32>
    %add3A_374 = arith.addi %add3A_373, %get3A_370 : vector<16xi32>
    tpu.vector_store_idx %arg5[%add3A_374], %broadcast_in_dim3A_15 : memref<28672xi32, #tpu.memory_space<vmem>>[vector<16xi32>], vector<16xi32>,
    %add3A_375 = arith.constant 2240 : i32
    %add3A_376 = arith.addi %sub3A, %add3A_375 : i32
    %add3A_377 = arith.constant 48 : i32
    %add3A_378 = arith.addi %add3A_376, %add3A_377 : i32
    %get3A_379 = arith.index_cast %add3A_378 : i32 to index
    %get3A_380 = tpu.vector_load %arg4[%get3A_379] {strides = array<i32>} : memref<3488xi32, #tpu.memory_space<vmem>>, vector<16xi32>,
    %add3A_381 = arith.constant 6144 : i32
    %add3A_382 = vector.broadcast %add3A_381 : i32 to vector<16xi32>
    %add3A_383 = arith.addi %mul3A_12, %add3A_382 : vector<16xi32>
    %add3A_384 = arith.addi %add3A_383, %get3A_380 : vector<16xi32>
    tpu.vector_store_idx %arg5[%add3A_384], %broadcast_in_dim3A_15 : memref<28672xi32, #tpu.memory_space<vmem>>[vector<16xi32>], vector<16xi32>,
    %add3A_385 = arith.constant 2240 : i32
    %add3A_386 = arith.addi %sub3A, %add3A_385 : i32
    %add3A_387 = arith.constant 64 : i32
    %add3A_388 = arith.addi %add3A_386, %add3A_387 : i32
    %get3A_389 = arith.index_cast %add3A_388 : i32 to index
    %get3A_390 = tpu.vector_load %arg4[%get3A_389] {strides = array<i32>} : memref<3488xi32, #tpu.memory_space<vmem>>, vector<16xi32>,
    %add3A_391 = arith.constant 8192 : i32
    %add3A_392 = vector.broadcast %add3A_391 : i32 to vector<16xi32>
    %add3A_393 = arith.addi %mul3A_12, %add3A_392 : vector<16xi32>
    %add3A_394 = arith.addi %add3A_393, %get3A_390 : vector<16xi32>
    tpu.vector_store_idx %arg5[%add3A_394], %broadcast_in_dim3A_15 : memref<28672xi32, #tpu.memory_space<vmem>>[vector<16xi32>], vector<16xi32>,
    %add3A_395 = arith.constant 2240 : i32
    %add3A_396 = arith.addi %sub3A, %add3A_395 : i32
    %add3A_397 = arith.constant 80 : i32
    %add3A_398 = arith.addi %add3A_396, %add3A_397 : i32
    %get3A_399 = arith.index_cast %add3A_398 : i32 to index
    %get3A_400 = tpu.vector_load %arg4[%get3A_399] {strides = array<i32>} : memref<3488xi32, #tpu.memory_space<vmem>>, vector<16xi32>,
    %add3A_401 = arith.constant 10240 : i32
    %add3A_402 = vector.broadcast %add3A_401 : i32 to vector<16xi32>
    %add3A_403 = arith.addi %mul3A_12, %add3A_402 : vector<16xi32>
    %add3A_404 = arith.addi %add3A_403, %get3A_400 : vector<16xi32>
    tpu.vector_store_idx %arg5[%add3A_404], %broadcast_in_dim3A_15 : memref<28672xi32, #tpu.memory_space<vmem>>[vector<16xi32>], vector<16xi32>,
    %add3A_405 = arith.constant 2240 : i32
    %add3A_406 = arith.addi %sub3A, %add3A_405 : i32
    %add3A_407 = arith.constant 96 : i32
    %add3A_408 = arith.addi %add3A_406, %add3A_407 : i32
    %get3A_409 = arith.index_cast %add3A_408 : i32 to index
    %get3A_410 = tpu.vector_load %arg4[%get3A_409] {strides = array<i32>} : memref<3488xi32, #tpu.memory_space<vmem>>, vector<16xi32>,
    %add3A_411 = arith.constant 12288 : i32
    %add3A_412 = vector.broadcast %add3A_411 : i32 to vector<16xi32>
    %add3A_413 = arith.addi %mul3A_12, %add3A_412 : vector<16xi32>
    %add3A_414 = arith.addi %add3A_413, %get3A_410 : vector<16xi32>
    tpu.vector_store_idx %arg5[%add3A_414], %broadcast_in_dim3A_15 : memref<28672xi32, #tpu.memory_space<vmem>>[vector<16xi32>], vector<16xi32>,
    %add3A_415 = arith.constant 2240 : i32
    %add3A_416 = arith.addi %sub3A, %add3A_415 : i32
    %add3A_417 = arith.constant 112 : i32
    %add3A_418 = arith.addi %add3A_416, %add3A_417 : i32
    %get3A_419 = arith.index_cast %add3A_418 : i32 to index
    %get3A_420 = tpu.vector_load %arg4[%get3A_419] {strides = array<i32>} : memref<3488xi32, #tpu.memory_space<vmem>>, vector<16xi32>,
    %add3A_421 = arith.constant 14336 : i32
    %add3A_422 = vector.broadcast %add3A_421 : i32 to vector<16xi32>
    %add3A_423 = arith.addi %mul3A_12, %add3A_422 : vector<16xi32>
    %add3A_424 = arith.addi %add3A_423, %get3A_420 : vector<16xi32>
    tpu.vector_store_idx %arg5[%add3A_424], %broadcast_in_dim3A_15 : memref<28672xi32, #tpu.memory_space<vmem>>[vector<16xi32>], vector<16xi32>,
    %add3A_425 = arith.constant 2240 : i32
    %add3A_426 = arith.addi %sub3A, %add3A_425 : i32
    %add3A_427 = arith.constant 128 : i32
    %add3A_428 = arith.addi %add3A_426, %add3A_427 : i32
    %get3A_429 = arith.index_cast %add3A_428 : i32 to index
    %get3A_430 = tpu.vector_load %arg4[%get3A_429] {strides = array<i32>} : memref<3488xi32, #tpu.memory_space<vmem>>, vector<16xi32>,
    %add3A_431 = arith.constant 16384 : i32
    %add3A_432 = vector.broadcast %add3A_431 : i32 to vector<16xi32>
    %add3A_433 = arith.addi %mul3A_12, %add3A_432 : vector<16xi32>
    %add3A_434 = arith.addi %add3A_433, %get3A_430 : vector<16xi32>
    tpu.vector_store_idx %arg5[%add3A_434], %broadcast_in_dim3A_15 : memref<28672xi32, #tpu.memory_space<vmem>>[vector<16xi32>], vector<16xi32>,
    %add3A_435 = arith.constant 2240 : i32
    %add3A_436 = arith.addi %sub3A, %add3A_435 : i32
    %add3A_437 = arith.constant 144 : i32
    %add3A_438 = arith.addi %add3A_436, %add3A_437 : i32
    %get3A_439 = arith.index_cast %add3A_438 : i32 to index
    %get3A_440 = tpu.vector_load %arg4[%get3A_439] {strides = array<i32>} : memref<3488xi32, #tpu.memory_space<vmem>>, vector<16xi32>,
    %add3A_441 = arith.constant 18432 : i32
    %add3A_442 = vector.broadcast %add3A_441 : i32 to vector<16xi32>
    %add3A_443 = arith.addi %mul3A_12, %add3A_442 : vector<16xi32>
    %add3A_444 = arith.addi %add3A_443, %get3A_440 : vector<16xi32>
    tpu.vector_store_idx %arg5[%add3A_444], %broadcast_in_dim3A_15 : memref<28672xi32, #tpu.memory_space<vmem>>[vector<16xi32>], vector<16xi32>,
    %add3A_445 = arith.constant 2240 : i32
    %add3A_446 = arith.addi %sub3A, %add3A_445 : i32
    %add3A_447 = arith.constant 160 : i32
    %add3A_448 = arith.addi %add3A_446, %add3A_447 : i32
    %get3A_449 = arith.index_cast %add3A_448 : i32 to index
    %get3A_450 = tpu.vector_load %arg4[%get3A_449] {strides = array<i32>} : memref<3488xi32, #tpu.memory_space<vmem>>, vector<16xi32>,
    %add3A_451 = arith.constant 20480 : i32
    %add3A_452 = vector.broadcast %add3A_451 : i32 to vector<16xi32>
    %add3A_453 = arith.addi %mul3A_12, %add3A_452 : vector<16xi32>
    %add3A_454 = arith.addi %add3A_453, %get3A_450 : vector<16xi32>
    tpu.vector_store_idx %arg5[%add3A_454], %broadcast_in_dim3A_15 : memref<28672xi32, #tpu.memory_space<vmem>>[vector<16xi32>], vector<16xi32>,
    %add3A_455 = arith.constant 2240 : i32
    %add3A_456 = arith.addi %sub3A, %add3A_455 : i32
    %add3A_457 = arith.constant 176 : i32
    %add3A_458 = arith.addi %add3A_456, %add3A_457 : i32
    %get3A_459 = arith.index_cast %add3A_458 : i32 to index
    %get3A_460 = tpu.vector_load %arg4[%get3A_459] {strides = array<i32>} : memref<3488xi32, #tpu.memory_space<vmem>>, vector<16xi32>,
    %add3A_461 = arith.constant 22528 : i32
    %add3A_462 = vector.broadcast %add3A_461 : i32 to vector<16xi32>
    %add3A_463 = arith.addi %mul3A_12, %add3A_462 : vector<16xi32>
    %add3A_464 = arith.addi %add3A_463, %get3A_460 : vector<16xi32>
    tpu.vector_store_idx %arg5[%add3A_464], %broadcast_in_dim3A_15 : memref<28672xi32, #tpu.memory_space<vmem>>[vector<16xi32>], vector<16xi32>,
    %add3A_465 = arith.constant 2240 : i32
    %add3A_466 = arith.addi %sub3A, %add3A_465 : i32
    %add3A_467 = arith.constant 192 : i32
    %add3A_468 = arith.addi %add3A_466, %add3A_467 : i32
    %get3A_469 = arith.index_cast %add3A_468 : i32 to index
    %get3A_470 = tpu.vector_load %arg4[%get3A_469] {strides = array<i32>} : memref<3488xi32, #tpu.memory_space<vmem>>, vector<16xi32>,
    %add3A_471 = arith.constant 24576 : i32
    %add3A_472 = vector.broadcast %add3A_471 : i32 to vector<16xi32>
    %add3A_473 = arith.addi %mul3A_12, %add3A_472 : vector<16xi32>
    %add3A_474 = arith.addi %add3A_473, %get3A_470 : vector<16xi32>
    tpu.vector_store_idx %arg5[%add3A_474], %broadcast_in_dim3A_15 : memref<28672xi32, #tpu.memory_space<vmem>>[vector<16xi32>], vector<16xi32>,
    %add3A_475 = arith.constant 2240 : i32
    %add3A_476 = arith.addi %sub3A, %add3A_475 : i32
    %add3A_477 = arith.constant 208 : i32
    %add3A_478 = arith.addi %add3A_476, %add3A_477 : i32
    %get3A_479 = arith.index_cast %add3A_478 : i32 to index
    %get3A_480 = tpu.vector_load %arg4[%get3A_479] {strides = array<i32>} : memref<3488xi32, #tpu.memory_space<vmem>>, vector<16xi32>,
    %add3A_481 = arith.constant 26624 : i32
    %add3A_482 = vector.broadcast %add3A_481 : i32 to vector<16xi32>
    %add3A_483 = arith.addi %mul3A_12, %add3A_482 : vector<16xi32>
    %add3A_484 = arith.addi %add3A_483, %get3A_480 : vector<16xi32>
    tpu.vector_store_idx %arg5[%add3A_484], %broadcast_in_dim3A_15 : memref<28672xi32, #tpu.memory_space<vmem>>[vector<16xi32>], vector<16xi32>,
    %not3A = arith.constant true
    %not3A_485 = arith.xori %eq3A_1, %not3A : i1
    %convert_element_type3A = arith.extui %not3A_485 : i1 to i32
    %cond3A = arith.constant 0 : i32
    %cond3A_486 = arith.cmpi ne, %convert_element_type3A, %cond3A : i32
    scf.if %cond3A_486 {
      %add3A_656 = arith.constant 2688 : i32
      %add3A_657 = arith.addi %sub3A, %add3A_656 : i32
      %add3A_658 = arith.constant 0 : i32
      %add3A_659 = arith.addi %add3A_657, %add3A_658 : i32
      %get3A_660 = arith.index_cast %add3A_659 : i32 to index
      %get3A_661 = tpu.vector_load %arg4[%get3A_660] {strides = array<i32>} : memref<3488xi32, #tpu.memory_space<vmem>>, vector<16xi32>,
      %add3A_662 = arith.constant 0 : i32
      %add3A_663 = vector.broadcast %add3A_662 : i32 to vector<16xi32>
      %add3A_664 = arith.addi %mul3A_12, %add3A_663 : vector<16xi32>
      %add3A_665 = arith.addi %add3A_664, %get3A_661 : vector<16xi32>
      tpu.vector_store_idx %arg5[%add3A_665], %broadcast_in_dim3A_13 : memref<28672xi32, #tpu.memory_space<vmem>>[vector<16xi32>], vector<16xi32>,
      %add3A_666 = arith.constant 2688 : i32
      %add3A_667 = arith.addi %sub3A, %add3A_666 : i32
      %add3A_668 = arith.constant 16 : i32
      %add3A_669 = arith.addi %add3A_667, %add3A_668 : i32
      %get3A_670 = arith.index_cast %add3A_669 : i32 to index
      %get3A_671 = tpu.vector_load %arg4[%get3A_670] {strides = array<i32>} : memref<3488xi32, #tpu.memory_space<vmem>>, vector<16xi32>,
      %add3A_672 = arith.constant 2048 : i32
      %add3A_673 = vector.broadcast %add3A_672 : i32 to vector<16xi32>
      %add3A_674 = arith.addi %mul3A_12, %add3A_673 : vector<16xi32>
      %add3A_675 = arith.addi %add3A_674, %get3A_671 : vector<16xi32>
      tpu.vector_store_idx %arg5[%add3A_675], %broadcast_in_dim3A_13 : memref<28672xi32, #tpu.memory_space<vmem>>[vector<16xi32>], vector<16xi32>,
      %add3A_676 = arith.constant 2688 : i32
      %add3A_677 = arith.addi %sub3A, %add3A_676 : i32
      %add3A_678 = arith.constant 32 : i32
      %add3A_679 = arith.addi %add3A_677, %add3A_678 : i32
      %get3A_680 = arith.index_cast %add3A_679 : i32 to index
      %get3A_681 = tpu.vector_load %arg4[%get3A_680] {strides = array<i32>} : memref<3488xi32, #tpu.memory_space<vmem>>, vector<16xi32>,
      %add3A_682 = arith.constant 4096 : i32
      %add3A_683 = vector.broadcast %add3A_682 : i32 to vector<16xi32>
      %add3A_684 = arith.addi %mul3A_12, %add3A_683 : vector<16xi32>
      %add3A_685 = arith.addi %add3A_684, %get3A_681 : vector<16xi32>
      tpu.vector_store_idx %arg5[%add3A_685], %broadcast_in_dim3A_13 : memref<28672xi32, #tpu.memory_space<vmem>>[vector<16xi32>], vector<16xi32>,
      %add3A_686 = arith.constant 2688 : i32
      %add3A_687 = arith.addi %sub3A, %add3A_686 : i32
      %add3A_688 = arith.constant 48 : i32
      %add3A_689 = arith.addi %add3A_687, %add3A_688 : i32
      %get3A_690 = arith.index_cast %add3A_689 : i32 to index
      %get3A_691 = tpu.vector_load %arg4[%get3A_690] {strides = array<i32>} : memref<3488xi32, #tpu.memory_space<vmem>>, vector<16xi32>,
      %add3A_692 = arith.constant 6144 : i32
      %add3A_693 = vector.broadcast %add3A_692 : i32 to vector<16xi32>
      %add3A_694 = arith.addi %mul3A_12, %add3A_693 : vector<16xi32>
      %add3A_695 = arith.addi %add3A_694, %get3A_691 : vector<16xi32>
      tpu.vector_store_idx %arg5[%add3A_695], %broadcast_in_dim3A_13 : memref<28672xi32, #tpu.memory_space<vmem>>[vector<16xi32>], vector<16xi32>,
      %add3A_696 = arith.constant 2688 : i32
      %add3A_697 = arith.addi %sub3A, %add3A_696 : i32
      %add3A_698 = arith.constant 64 : i32
      %add3A_699 = arith.addi %add3A_697, %add3A_698 : i32
      %get3A_700 = arith.index_cast %add3A_699 : i32 to index
      %get3A_701 = tpu.vector_load %arg4[%get3A_700] {strides = array<i32>} : memref<3488xi32, #tpu.memory_space<vmem>>, vector<16xi32>,
      %add3A_702 = arith.constant 8192 : i32
      %add3A_703 = vector.broadcast %add3A_702 : i32 to vector<16xi32>
      %add3A_704 = arith.addi %mul3A_12, %add3A_703 : vector<16xi32>
      %add3A_705 = arith.addi %add3A_704, %get3A_701 : vector<16xi32>
      tpu.vector_store_idx %arg5[%add3A_705], %broadcast_in_dim3A_13 : memref<28672xi32, #tpu.memory_space<vmem>>[vector<16xi32>], vector<16xi32>,
      %add3A_706 = arith.constant 2688 : i32
      %add3A_707 = arith.addi %sub3A, %add3A_706 : i32
      %add3A_708 = arith.constant 80 : i32
      %add3A_709 = arith.addi %add3A_707, %add3A_708 : i32
      %get3A_710 = arith.index_cast %add3A_709 : i32 to index
      %get3A_711 = tpu.vector_load %arg4[%get3A_710] {strides = array<i32>} : memref<3488xi32, #tpu.memory_space<vmem>>, vector<16xi32>,
      %add3A_712 = arith.constant 10240 : i32
      %add3A_713 = vector.broadcast %add3A_712 : i32 to vector<16xi32>
      %add3A_714 = arith.addi %mul3A_12, %add3A_713 : vector<16xi32>
      %add3A_715 = arith.addi %add3A_714, %get3A_711 : vector<16xi32>
      tpu.vector_store_idx %arg5[%add3A_715], %broadcast_in_dim3A_13 : memref<28672xi32, #tpu.memory_space<vmem>>[vector<16xi32>], vector<16xi32>,
      %add3A_716 = arith.constant 2688 : i32
      %add3A_717 = arith.addi %sub3A, %add3A_716 : i32
      %add3A_718 = arith.constant 96 : i32
      %add3A_719 = arith.addi %add3A_717, %add3A_718 : i32
      %get3A_720 = arith.index_cast %add3A_719 : i32 to index
      %get3A_721 = tpu.vector_load %arg4[%get3A_720] {strides = array<i32>} : memref<3488xi32, #tpu.memory_space<vmem>>, vector<16xi32>,
      %add3A_722 = arith.constant 12288 : i32
      %add3A_723 = vector.broadcast %add3A_722 : i32 to vector<16xi32>
      %add3A_724 = arith.addi %mul3A_12, %add3A_723 : vector<16xi32>
      %add3A_725 = arith.addi %add3A_724, %get3A_721 : vector<16xi32>
      tpu.vector_store_idx %arg5[%add3A_725], %broadcast_in_dim3A_13 : memref<28672xi32, #tpu.memory_space<vmem>>[vector<16xi32>], vector<16xi32>,
      %add3A_726 = arith.constant 2688 : i32
      %add3A_727 = arith.addi %sub3A, %add3A_726 : i32
      %add3A_728 = arith.constant 112 : i32
      %add3A_729 = arith.addi %add3A_727, %add3A_728 : i32
      %get3A_730 = arith.index_cast %add3A_729 : i32 to index
      %get3A_731 = tpu.vector_load %arg4[%get3A_730] {strides = array<i32>} : memref<3488xi32, #tpu.memory_space<vmem>>, vector<16xi32>,
      %add3A_732 = arith.constant 14336 : i32
      %add3A_733 = vector.broadcast %add3A_732 : i32 to vector<16xi32>
      %add3A_734 = arith.addi %mul3A_12, %add3A_733 : vector<16xi32>
      %add3A_735 = arith.addi %add3A_734, %get3A_731 : vector<16xi32>
      tpu.vector_store_idx %arg5[%add3A_735], %broadcast_in_dim3A_13 : memref<28672xi32, #tpu.memory_space<vmem>>[vector<16xi32>], vector<16xi32>,
      %add3A_736 = arith.constant 2688 : i32
      %add3A_737 = arith.addi %sub3A, %add3A_736 : i32
      %add3A_738 = arith.constant 128 : i32
      %add3A_739 = arith.addi %add3A_737, %add3A_738 : i32
      %get3A_740 = arith.index_cast %add3A_739 : i32 to index
      %get3A_741 = tpu.vector_load %arg4[%get3A_740] {strides = array<i32>} : memref<3488xi32, #tpu.memory_space<vmem>>, vector<16xi32>,
      %add3A_742 = arith.constant 16384 : i32
      %add3A_743 = vector.broadcast %add3A_742 : i32 to vector<16xi32>
      %add3A_744 = arith.addi %mul3A_12, %add3A_743 : vector<16xi32>
      %add3A_745 = arith.addi %add3A_744, %get3A_741 : vector<16xi32>
      tpu.vector_store_idx %arg5[%add3A_745], %broadcast_in_dim3A_13 : memref<28672xi32, #tpu.memory_space<vmem>>[vector<16xi32>], vector<16xi32>,
      %add3A_746 = arith.constant 2688 : i32
      %add3A_747 = arith.addi %sub3A, %add3A_746 : i32
      %add3A_748 = arith.constant 144 : i32
      %add3A_749 = arith.addi %add3A_747, %add3A_748 : i32
      %get3A_750 = arith.index_cast %add3A_749 : i32 to index
      %get3A_751 = tpu.vector_load %arg4[%get3A_750] {strides = array<i32>} : memref<3488xi32, #tpu.memory_space<vmem>>, vector<16xi32>,
      %add3A_752 = arith.constant 18432 : i32
      %add3A_753 = vector.broadcast %add3A_752 : i32 to vector<16xi32>
      %add3A_754 = arith.addi %mul3A_12, %add3A_753 : vector<16xi32>
      %add3A_755 = arith.addi %add3A_754, %get3A_751 : vector<16xi32>
      tpu.vector_store_idx %arg5[%add3A_755], %broadcast_in_dim3A_13 : memref<28672xi32, #tpu.memory_space<vmem>>[vector<16xi32>], vector<16xi32>,
      %add3A_756 = arith.constant 2688 : i32
      %add3A_757 = arith.addi %sub3A, %add3A_756 : i32
      %add3A_758 = arith.constant 160 : i32
      %add3A_759 = arith.addi %add3A_757, %add3A_758 : i32
      %get3A_760 = arith.index_cast %add3A_759 : i32 to index
      %get3A_761 = tpu.vector_load %arg4[%get3A_760] {strides = array<i32>} : memref<3488xi32, #tpu.memory_space<vmem>>, vector<16xi32>,
      %add3A_762 = arith.constant 20480 : i32
      %add3A_763 = vector.broadcast %add3A_762 : i32 to vector<16xi32>
      %add3A_764 = arith.addi %mul3A_12, %add3A_763 : vector<16xi32>
      %add3A_765 = arith.addi %add3A_764, %get3A_761 : vector<16xi32>
      tpu.vector_store_idx %arg5[%add3A_765], %broadcast_in_dim3A_13 : memref<28672xi32, #tpu.memory_space<vmem>>[vector<16xi32>], vector<16xi32>,
      %add3A_766 = arith.constant 2688 : i32
      %add3A_767 = arith.addi %sub3A, %add3A_766 : i32
      %add3A_768 = arith.constant 176 : i32
      %add3A_769 = arith.addi %add3A_767, %add3A_768 : i32
      %get3A_770 = arith.index_cast %add3A_769 : i32 to index
      %get3A_771 = tpu.vector_load %arg4[%get3A_770] {strides = array<i32>} : memref<3488xi32, #tpu.memory_space<vmem>>, vector<16xi32>,
      %add3A_772 = arith.constant 22528 : i32
      %add3A_773 = vector.broadcast %add3A_772 : i32 to vector<16xi32>
      %add3A_774 = arith.addi %mul3A_12, %add3A_773 : vector<16xi32>
      %add3A_775 = arith.addi %add3A_774, %get3A_771 : vector<16xi32>
      tpu.vector_store_idx %arg5[%add3A_775], %broadcast_in_dim3A_13 : memref<28672xi32, #tpu.memory_space<vmem>>[vector<16xi32>], vector<16xi32>,
      %add3A_776 = arith.constant 2688 : i32
      %add3A_777 = arith.addi %sub3A, %add3A_776 : i32
      %add3A_778 = arith.constant 192 : i32
      %add3A_779 = arith.addi %add3A_777, %add3A_778 : i32
      %get3A_780 = arith.index_cast %add3A_779 : i32 to index
      %get3A_781 = tpu.vector_load %arg4[%get3A_780] {strides = array<i32>} : memref<3488xi32, #tpu.memory_space<vmem>>, vector<16xi32>,
      %add3A_782 = arith.constant 24576 : i32
      %add3A_783 = vector.broadcast %add3A_782 : i32 to vector<16xi32>
      %add3A_784 = arith.addi %mul3A_12, %add3A_783 : vector<16xi32>
      %add3A_785 = arith.addi %add3A_784, %get3A_781 : vector<16xi32>
      tpu.vector_store_idx %arg5[%add3A_785], %broadcast_in_dim3A_13 : memref<28672xi32, #tpu.memory_space<vmem>>[vector<16xi32>], vector<16xi32>,
      %add3A_786 = arith.constant 2688 : i32
      %add3A_787 = arith.addi %sub3A, %add3A_786 : i32
      %add3A_788 = arith.constant 208 : i32
      %add3A_789 = arith.addi %add3A_787, %add3A_788 : i32
      %get3A_790 = arith.index_cast %add3A_789 : i32 to index
      %get3A_791 = tpu.vector_load %arg4[%get3A_790] {strides = array<i32>} : memref<3488xi32, #tpu.memory_space<vmem>>, vector<16xi32>,
      %add3A_792 = arith.constant 26624 : i32
      %add3A_793 = vector.broadcast %add3A_792 : i32 to vector<16xi32>
      %add3A_794 = arith.addi %mul3A_12, %add3A_793 : vector<16xi32>
      %add3A_795 = arith.addi %add3A_794, %get3A_791 : vector<16xi32>
      tpu.vector_store_idx %arg5[%add3A_795], %broadcast_in_dim3A_13 : memref<28672xi32, #tpu.memory_space<vmem>>[vector<16xi32>], vector<16xi32>,
      %add3A_796 = arith.constant 2688 : i32
      %add3A_797 = arith.addi %mul3A_3, %add3A_796 : i32
      %mul3A_798 = arith.constant 128 : i32
      %mul3A_799 = arith.muli %add3A_797, %mul3A_798 : i32
      %dma_start3A_800 = arith.constant 0 : i32
      %dma_start3A_801 = tpu.memref_slice %arg5[%dma_start3A_800] : memref<28672xi32, #tpu.memory_space<vmem>> -> memref<28672xi32, #tpu.memory_space<vmem>>
      %dma_start3A_802 = tpu.memref_slice %arg3[%mul3A_799] : memref<12800000xi32, #tpu.memory_space<hbm>> -> memref<28672xi32, #tpu.memory_space<hbm>>
      %dma_start3A_803 = tpu.memref_slice %arg3[%mul3A_799] : memref<12800000xi32, #tpu.memory_space<hbm>> -> memref<28672xi32, #tpu.memory_space<hbm>>
      %dma_start3A_804 = arith.constant 0 : i32
      %dma_start3A_805 = tpu.memref_slice %arg5[%dma_start3A_804] : memref<28672xi32, #tpu.memory_space<vmem>> -> memref<28672xi32, #tpu.memory_space<vmem>>
      tpu.enqueue_dma source(%dma_start3A_805 : memref<28672xi32, #tpu.memory_space<vmem>>) target(%dma_start3A_803 : memref<28672xi32, #tpu.memory_space<hbm>>) target_semaphore(%arg7 : memref<!tpu.dma_semaphore, #tpu.memory_space<semaphore_mem>>)
    } else {
    }
    %convert_element_type3A_487 = arith.extui %eq3A_1 : i1 to i32
    %cond3A_488 = arith.constant 0 : i32
    %cond3A_489 = arith.cmpi ne, %convert_element_type3A_487, %cond3A_488 : i32
    scf.if %cond3A_489 {
      %add3A_656 = arith.constant 2688 : i32
      %add3A_657 = arith.addi %sub3A, %add3A_656 : i32
      %add3A_658 = arith.constant 0 : i32
      %add3A_659 = arith.addi %add3A_657, %add3A_658 : i32
      %get3A_660 = arith.index_cast %add3A_659 : i32 to index
      %get3A_661 = tpu.vector_load %arg4[%get3A_660] {strides = array<i32>} : memref<3488xi32, #tpu.memory_space<vmem>>, vector<16xi32>,
      %add3A_662 = arith.constant 0 : i32
      %add3A_663 = vector.broadcast %add3A_662 : i32 to vector<16xi32>
      %add3A_664 = arith.addi %mul3A_12, %add3A_663 : vector<16xi32>
      %add3A_665 = arith.addi %add3A_664, %get3A_661 : vector<16xi32>
      tpu.vector_store_idx %arg5[%add3A_665], %broadcast_in_dim3A_13 : memref<28672xi32, #tpu.memory_space<vmem>>[vector<16xi32>], vector<16xi32>,
      %add3A_666 = arith.constant 2688 : i32
      %add3A_667 = arith.addi %sub3A, %add3A_666 : i32
      %add3A_668 = arith.constant 16 : i32
      %add3A_669 = arith.addi %add3A_667, %add3A_668 : i32
      %get3A_670 = arith.index_cast %add3A_669 : i32 to index
      %get3A_671 = tpu.vector_load %arg4[%get3A_670] {strides = array<i32>} : memref<3488xi32, #tpu.memory_space<vmem>>, vector<16xi32>,
      %add3A_672 = arith.constant 2048 : i32
      %add3A_673 = vector.broadcast %add3A_672 : i32 to vector<16xi32>
      %add3A_674 = arith.addi %mul3A_12, %add3A_673 : vector<16xi32>
      %add3A_675 = arith.addi %add3A_674, %get3A_671 : vector<16xi32>
      tpu.vector_store_idx %arg5[%add3A_675], %broadcast_in_dim3A_13 : memref<28672xi32, #tpu.memory_space<vmem>>[vector<16xi32>], vector<16xi32>,
      %add3A_676 = arith.constant 2688 : i32
      %add3A_677 = arith.addi %sub3A, %add3A_676 : i32
      %add3A_678 = arith.constant 32 : i32
      %add3A_679 = arith.addi %add3A_677, %add3A_678 : i32
      %get3A_680 = arith.index_cast %add3A_679 : i32 to index
      %get3A_681 = tpu.vector_load %arg4[%get3A_680] {strides = array<i32>} : memref<3488xi32, #tpu.memory_space<vmem>>, vector<16xi32>,
      %add3A_682 = arith.constant 4096 : i32
      %add3A_683 = vector.broadcast %add3A_682 : i32 to vector<16xi32>
      %add3A_684 = arith.addi %mul3A_12, %add3A_683 : vector<16xi32>
      %add3A_685 = arith.addi %add3A_684, %get3A_681 : vector<16xi32>
      tpu.vector_store_idx %arg5[%add3A_685], %broadcast_in_dim3A_13 : memref<28672xi32, #tpu.memory_space<vmem>>[vector<16xi32>], vector<16xi32>,
      %add3A_686 = arith.constant 2688 : i32
      %add3A_687 = arith.addi %sub3A, %add3A_686 : i32
      %add3A_688 = arith.constant 48 : i32
      %add3A_689 = arith.addi %add3A_687, %add3A_688 : i32
      %get3A_690 = arith.index_cast %add3A_689 : i32 to index
      %get3A_691 = tpu.vector_load %arg4[%get3A_690] {strides = array<i32>} : memref<3488xi32, #tpu.memory_space<vmem>>, vector<16xi32>,
      %add3A_692 = arith.constant 6144 : i32
      %add3A_693 = vector.broadcast %add3A_692 : i32 to vector<16xi32>
      %add3A_694 = arith.addi %mul3A_12, %add3A_693 : vector<16xi32>
      %add3A_695 = arith.addi %add3A_694, %get3A_691 : vector<16xi32>
      tpu.vector_store_idx %arg5[%add3A_695], %broadcast_in_dim3A_13 : memref<28672xi32, #tpu.memory_space<vmem>>[vector<16xi32>], vector<16xi32>,
      %add3A_696 = arith.constant 2688 : i32
      %add3A_697 = arith.addi %sub3A, %add3A_696 : i32
      %add3A_698 = arith.constant 64 : i32
      %add3A_699 = arith.addi %add3A_697, %add3A_698 : i32
      %get3A_700 = arith.index_cast %add3A_699 : i32 to index
      %get3A_701 = tpu.vector_load %arg4[%get3A_700] {strides = array<i32>} : memref<3488xi32, #tpu.memory_space<vmem>>, vector<16xi32>,
      %add3A_702 = arith.constant 8192 : i32
      %add3A_703 = vector.broadcast %add3A_702 : i32 to vector<16xi32>
      %add3A_704 = arith.addi %mul3A_12, %add3A_703 : vector<16xi32>
      %add3A_705 = arith.addi %add3A_704, %get3A_701 : vector<16xi32>
      tpu.vector_store_idx %arg5[%add3A_705], %broadcast_in_dim3A_13 : memref<28672xi32, #tpu.memory_space<vmem>>[vector<16xi32>], vector<16xi32>,
      %add3A_706 = arith.constant 2688 : i32
      %add3A_707 = arith.addi %sub3A, %add3A_706 : i32
      %add3A_708 = arith.constant 80 : i32
      %add3A_709 = arith.addi %add3A_707, %add3A_708 : i32
      %get3A_710 = arith.index_cast %add3A_709 : i32 to index
      %get3A_711 = tpu.vector_load %arg4[%get3A_710] {strides = array<i32>} : memref<3488xi32, #tpu.memory_space<vmem>>, vector<16xi32>,
      %add3A_712 = arith.constant 10240 : i32
      %add3A_713 = vector.broadcast %add3A_712 : i32 to vector<16xi32>
      %add3A_714 = arith.addi %mul3A_12, %add3A_713 : vector<16xi32>
      %add3A_715 = arith.addi %add3A_714, %get3A_711 : vector<16xi32>
      tpu.vector_store_idx %arg5[%add3A_715], %broadcast_in_dim3A_13 : memref<28672xi32, #tpu.memory_space<vmem>>[vector<16xi32>], vector<16xi32>,
      %add3A_716 = arith.constant 2688 : i32
      %add3A_717 = arith.addi %mul3A_3, %add3A_716 : i32
      %mul3A_718 = arith.constant 128 : i32
      %mul3A_719 = arith.muli %add3A_717, %mul3A_718 : i32
      %dma_start3A_720 = arith.constant 0 : i32
      %dma_start3A_721 = tpu.memref_slice %arg5[%dma_start3A_720] : memref<28672xi32, #tpu.memory_space<vmem>> -> memref<12288xi32, #tpu.memory_space<vmem>>
      %dma_start3A_722 = tpu.memref_slice %arg3[%mul3A_719] : memref<12800000xi32, #tpu.memory_space<hbm>> -> memref<12288xi32, #tpu.memory_space<hbm>>
      %dma_start3A_723 = tpu.memref_slice %arg3[%mul3A_719] : memref<12800000xi32, #tpu.memory_space<hbm>> -> memref<12288xi32, #tpu.memory_space<hbm>>
      %dma_start3A_724 = arith.constant 0 : i32
      %dma_start3A_725 = tpu.memref_slice %arg5[%dma_start3A_724] : memref<28672xi32, #tpu.memory_space<vmem>> -> memref<12288xi32, #tpu.memory_space<vmem>>
      tpu.enqueue_dma source(%dma_start3A_725 : memref<12288xi32, #tpu.memory_space<vmem>>) target(%dma_start3A_723 : memref<12288xi32, #tpu.memory_space<hbm>>) target_semaphore(%arg7 : memref<!tpu.dma_semaphore, #tpu.memory_space<semaphore_mem>>)
    } else {
    }
    %dma_wait3A_490 = arith.constant 0 : i32
    %dma_wait3A_491 = tpu.memref_slice %arg6[%dma_wait3A_490] : memref<28672xi32, #tpu.memory_space<vmem>> -> memref<28672xi32, #tpu.memory_space<vmem>>
    %dma_wait3A_492 = arith.constant 0 : i32
    %dma_wait3A_493 = tpu.memref_slice %arg3[%dma_wait3A_492] : memref<12800000xi32, #tpu.memory_space<hbm>> -> memref<28672xi32, #tpu.memory_space<hbm>>
    %dma_wait3A_494 = arith.constant 0 : i32
    %dma_wait3A_495 = tpu.memref_slice %arg3[%dma_wait3A_494] : memref<12800000xi32, #tpu.memory_space<hbm>> -> memref<28672xi32, #tpu.memory_space<hbm>>
    %dma_wait3A_496 = arith.constant 0 : i32
    %dma_wait3A_497 = tpu.memref_slice %arg6[%dma_wait3A_496] : memref<28672xi32, #tpu.memory_space<vmem>> -> memref<28672xi32, #tpu.memory_space<vmem>>
    tpu.wait_dma2 semaphore(%arg8 : memref<!tpu.dma_semaphore, #tpu.memory_space<semaphore_mem>>) src(%dma_wait3A_497 : memref<28672xi32, #tpu.memory_space<vmem>>) dst(%dma_wait3A_495 : memref<28672xi32, #tpu.memory_space<hbm>>)
    %add3A_498 = arith.constant 2464 : i32
    %add3A_499 = arith.addi %sub3A, %add3A_498 : i32
    %add3A_500 = arith.constant 0 : i32
    %add3A_501 = arith.addi %add3A_499, %add3A_500 : i32
    %get3A_502 = arith.index_cast %add3A_501 : i32 to index
    %get3A_503 = tpu.vector_load %arg4[%get3A_502] {strides = array<i32>} : memref<3488xi32, #tpu.memory_space<vmem>>, vector<16xi32>,
    %add3A_504 = arith.constant 0 : i32
    %add3A_505 = vector.broadcast %add3A_504 : i32 to vector<16xi32>
    %add3A_506 = arith.addi %mul3A_12, %add3A_505 : vector<16xi32>
    %add3A_507 = arith.addi %add3A_506, %get3A_503 : vector<16xi32>
    tpu.vector_store_idx %arg6[%add3A_507], %broadcast_in_dim3A_15 : memref<28672xi32, #tpu.memory_space<vmem>>[vector<16xi32>], vector<16xi32>,
    %add3A_508 = arith.constant 2464 : i32
    %add3A_509 = arith.addi %sub3A, %add3A_508 : i32
    %add3A_510 = arith.constant 16 : i32
    %add3A_511 = arith.addi %add3A_509, %add3A_510 : i32
    %get3A_512 = arith.index_cast %add3A_511 : i32 to index
    %get3A_513 = tpu.vector_load %arg4[%get3A_512] {strides = array<i32>} : memref<3488xi32, #tpu.memory_space<vmem>>, vector<16xi32>,
    %add3A_514 = arith.constant 2048 : i32
    %add3A_515 = vector.broadcast %add3A_514 : i32 to vector<16xi32>
    %add3A_516 = arith.addi %mul3A_12, %add3A_515 : vector<16xi32>
    %add3A_517 = arith.addi %add3A_516, %get3A_513 : vector<16xi32>
    tpu.vector_store_idx %arg6[%add3A_517], %broadcast_in_dim3A_15 : memref<28672xi32, #tpu.memory_space<vmem>>[vector<16xi32>], vector<16xi32>,
    %add3A_518 = arith.constant 2464 : i32
    %add3A_519 = arith.addi %sub3A, %add3A_518 : i32
    %add3A_520 = arith.constant 32 : i32
    %add3A_521 = arith.addi %add3A_519, %add3A_520 : i32
    %get3A_522 = arith.index_cast %add3A_521 : i32 to index
    %get3A_523 = tpu.vector_load %arg4[%get3A_522] {strides = array<i32>} : memref<3488xi32, #tpu.memory_space<vmem>>, vector<16xi32>,
    %add3A_524 = arith.constant 4096 : i32
    %add3A_525 = vector.broadcast %add3A_524 : i32 to vector<16xi32>
    %add3A_526 = arith.addi %mul3A_12, %add3A_525 : vector<16xi32>
    %add3A_527 = arith.addi %add3A_526, %get3A_523 : vector<16xi32>
    tpu.vector_store_idx %arg6[%add3A_527], %broadcast_in_dim3A_15 : memref<28672xi32, #tpu.memory_space<vmem>>[vector<16xi32>], vector<16xi32>,
    %add3A_528 = arith.constant 2464 : i32
    %add3A_529 = arith.addi %sub3A, %add3A_528 : i32
    %add3A_530 = arith.constant 48 : i32
    %add3A_531 = arith.addi %add3A_529, %add3A_530 : i32
    %get3A_532 = arith.index_cast %add3A_531 : i32 to index
    %get3A_533 = tpu.vector_load %arg4[%get3A_532] {strides = array<i32>} : memref<3488xi32, #tpu.memory_space<vmem>>, vector<16xi32>,
    %add3A_534 = arith.constant 6144 : i32
    %add3A_535 = vector.broadcast %add3A_534 : i32 to vector<16xi32>
    %add3A_536 = arith.addi %mul3A_12, %add3A_535 : vector<16xi32>
    %add3A_537 = arith.addi %add3A_536, %get3A_533 : vector<16xi32>
    tpu.vector_store_idx %arg6[%add3A_537], %broadcast_in_dim3A_15 : memref<28672xi32, #tpu.memory_space<vmem>>[vector<16xi32>], vector<16xi32>,
    %add3A_538 = arith.constant 2464 : i32
    %add3A_539 = arith.addi %sub3A, %add3A_538 : i32
    %add3A_540 = arith.constant 64 : i32
    %add3A_541 = arith.addi %add3A_539, %add3A_540 : i32
    %get3A_542 = arith.index_cast %add3A_541 : i32 to index
    %get3A_543 = tpu.vector_load %arg4[%get3A_542] {strides = array<i32>} : memref<3488xi32, #tpu.memory_space<vmem>>, vector<16xi32>,
    %add3A_544 = arith.constant 8192 : i32
    %add3A_545 = vector.broadcast %add3A_544 : i32 to vector<16xi32>
    %add3A_546 = arith.addi %mul3A_12, %add3A_545 : vector<16xi32>
    %add3A_547 = arith.addi %add3A_546, %get3A_543 : vector<16xi32>
    tpu.vector_store_idx %arg6[%add3A_547], %broadcast_in_dim3A_15 : memref<28672xi32, #tpu.memory_space<vmem>>[vector<16xi32>], vector<16xi32>,
    %add3A_548 = arith.constant 2464 : i32
    %add3A_549 = arith.addi %sub3A, %add3A_548 : i32
    %add3A_550 = arith.constant 80 : i32
    %add3A_551 = arith.addi %add3A_549, %add3A_550 : i32
    %get3A_552 = arith.index_cast %add3A_551 : i32 to index
    %get3A_553 = tpu.vector_load %arg4[%get3A_552] {strides = array<i32>} : memref<3488xi32, #tpu.memory_space<vmem>>, vector<16xi32>,
    %add3A_554 = arith.constant 10240 : i32
    %add3A_555 = vector.broadcast %add3A_554 : i32 to vector<16xi32>
    %add3A_556 = arith.addi %mul3A_12, %add3A_555 : vector<16xi32>
    %add3A_557 = arith.addi %add3A_556, %get3A_553 : vector<16xi32>
    tpu.vector_store_idx %arg6[%add3A_557], %broadcast_in_dim3A_15 : memref<28672xi32, #tpu.memory_space<vmem>>[vector<16xi32>], vector<16xi32>,
    %add3A_558 = arith.constant 2464 : i32
    %add3A_559 = arith.addi %sub3A, %add3A_558 : i32
    %add3A_560 = arith.constant 96 : i32
    %add3A_561 = arith.addi %add3A_559, %add3A_560 : i32
    %get3A_562 = arith.index_cast %add3A_561 : i32 to index
    %get3A_563 = tpu.vector_load %arg4[%get3A_562] {strides = array<i32>} : memref<3488xi32, #tpu.memory_space<vmem>>, vector<16xi32>,
    %add3A_564 = arith.constant 12288 : i32
    %add3A_565 = vector.broadcast %add3A_564 : i32 to vector<16xi32>
    %add3A_566 = arith.addi %mul3A_12, %add3A_565 : vector<16xi32>
    %add3A_567 = arith.addi %add3A_566, %get3A_563 : vector<16xi32>
    tpu.vector_store_idx %arg6[%add3A_567], %broadcast_in_dim3A_15 : memref<28672xi32, #tpu.memory_space<vmem>>[vector<16xi32>], vector<16xi32>,
    %add3A_568 = arith.constant 2464 : i32
    %add3A_569 = arith.addi %sub3A, %add3A_568 : i32
    %add3A_570 = arith.constant 112 : i32
    %add3A_571 = arith.addi %add3A_569, %add3A_570 : i32
    %get3A_572 = arith.index_cast %add3A_571 : i32 to index
    %get3A_573 = tpu.vector_load %arg4[%get3A_572] {strides = array<i32>} : memref<3488xi32, #tpu.memory_space<vmem>>, vector<16xi32>,
    %add3A_574 = arith.constant 14336 : i32
    %add3A_575 = vector.broadcast %add3A_574 : i32 to vector<16xi32>
    %add3A_576 = arith.addi %mul3A_12, %add3A_575 : vector<16xi32>
    %add3A_577 = arith.addi %add3A_576, %get3A_573 : vector<16xi32>
    tpu.vector_store_idx %arg6[%add3A_577], %broadcast_in_dim3A_15 : memref<28672xi32, #tpu.memory_space<vmem>>[vector<16xi32>], vector<16xi32>,
    %add3A_578 = arith.constant 2464 : i32
    %add3A_579 = arith.addi %sub3A, %add3A_578 : i32
    %add3A_580 = arith.constant 128 : i32
    %add3A_581 = arith.addi %add3A_579, %add3A_580 : i32
    %get3A_582 = arith.index_cast %add3A_581 : i32 to index
    %get3A_583 = tpu.vector_load %arg4[%get3A_582] {strides = array<i32>} : memref<3488xi32, #tpu.memory_space<vmem>>, vector<16xi32>,
    %add3A_584 = arith.constant 16384 : i32
    %add3A_585 = vector.broadcast %add3A_584 : i32 to vector<16xi32>
    %add3A_586 = arith.addi %mul3A_12, %add3A_585 : vector<16xi32>
    %add3A_587 = arith.addi %add3A_586, %get3A_583 : vector<16xi32>
    tpu.vector_store_idx %arg6[%add3A_587], %broadcast_in_dim3A_15 : memref<28672xi32, #tpu.memory_space<vmem>>[vector<16xi32>], vector<16xi32>,
    %add3A_588 = arith.constant 2464 : i32
    %add3A_589 = arith.addi %sub3A, %add3A_588 : i32
    %add3A_590 = arith.constant 144 : i32
    %add3A_591 = arith.addi %add3A_589, %add3A_590 : i32
    %get3A_592 = arith.index_cast %add3A_591 : i32 to index
    %get3A_593 = tpu.vector_load %arg4[%get3A_592] {strides = array<i32>} : memref<3488xi32, #tpu.memory_space<vmem>>, vector<16xi32>,
    %add3A_594 = arith.constant 18432 : i32
    %add3A_595 = vector.broadcast %add3A_594 : i32 to vector<16xi32>
    %add3A_596 = arith.addi %mul3A_12, %add3A_595 : vector<16xi32>
    %add3A_597 = arith.addi %add3A_596, %get3A_593 : vector<16xi32>
    tpu.vector_store_idx %arg6[%add3A_597], %broadcast_in_dim3A_15 : memref<28672xi32, #tpu.memory_space<vmem>>[vector<16xi32>], vector<16xi32>,
    %add3A_598 = arith.constant 2464 : i32
    %add3A_599 = arith.addi %sub3A, %add3A_598 : i32
    %add3A_600 = arith.constant 160 : i32
    %add3A_601 = arith.addi %add3A_599, %add3A_600 : i32
    %get3A_602 = arith.index_cast %add3A_601 : i32 to index
    %get3A_603 = tpu.vector_load %arg4[%get3A_602] {strides = array<i32>} : memref<3488xi32, #tpu.memory_space<vmem>>, vector<16xi32>,
    %add3A_604 = arith.constant 20480 : i32
    %add3A_605 = vector.broadcast %add3A_604 : i32 to vector<16xi32>
    %add3A_606 = arith.addi %mul3A_12, %add3A_605 : vector<16xi32>
    %add3A_607 = arith.addi %add3A_606, %get3A_603 : vector<16xi32>
    tpu.vector_store_idx %arg6[%add3A_607], %broadcast_in_dim3A_15 : memref<28672xi32, #tpu.memory_space<vmem>>[vector<16xi32>], vector<16xi32>,
    %add3A_608 = arith.constant 2464 : i32
    %add3A_609 = arith.addi %sub3A, %add3A_608 : i32
    %add3A_610 = arith.constant 176 : i32
    %add3A_611 = arith.addi %add3A_609, %add3A_610 : i32
    %get3A_612 = arith.index_cast %add3A_611 : i32 to index
    %get3A_613 = tpu.vector_load %arg4[%get3A_612] {strides = array<i32>} : memref<3488xi32, #tpu.memory_space<vmem>>, vector<16xi32>,
    %add3A_614 = arith.constant 22528 : i32
    %add3A_615 = vector.broadcast %add3A_614 : i32 to vector<16xi32>
    %add3A_616 = arith.addi %mul3A_12, %add3A_615 : vector<16xi32>
    %add3A_617 = arith.addi %add3A_616, %get3A_613 : vector<16xi32>
    tpu.vector_store_idx %arg6[%add3A_617], %broadcast_in_dim3A_15 : memref<28672xi32, #tpu.memory_space<vmem>>[vector<16xi32>], vector<16xi32>,
    %add3A_618 = arith.constant 2464 : i32
    %add3A_619 = arith.addi %sub3A, %add3A_618 : i32
    %add3A_620 = arith.constant 192 : i32
    %add3A_621 = arith.addi %add3A_619, %add3A_620 : i32
    %get3A_622 = arith.index_cast %add3A_621 : i32 to index
    %get3A_623 = tpu.vector_load %arg4[%get3A_622] {strides = array<i32>} : memref<3488xi32, #tpu.memory_space<vmem>>, vector<16xi32>,
    %add3A_624 = arith.constant 24576 : i32
    %add3A_625 = vector.broadcast %add3A_624 : i32 to vector<16xi32>
    %add3A_626 = arith.addi %mul3A_12, %add3A_625 : vector<16xi32>
    %add3A_627 = arith.addi %add3A_626, %get3A_623 : vector<16xi32>
    tpu.vector_store_idx %arg6[%add3A_627], %broadcast_in_dim3A_15 : memref<28672xi32, #tpu.memory_space<vmem>>[vector<16xi32>], vector<16xi32>,
    %add3A_628 = arith.constant 2464 : i32
    %add3A_629 = arith.addi %sub3A, %add3A_628 : i32
    %add3A_630 = arith.constant 208 : i32
    %add3A_631 = arith.addi %add3A_629, %add3A_630 : i32
    %get3A_632 = arith.index_cast %add3A_631 : i32 to index
    %get3A_633 = tpu.vector_load %arg4[%get3A_632] {strides = array<i32>} : memref<3488xi32, #tpu.memory_space<vmem>>, vector<16xi32>,
    %add3A_634 = arith.constant 26624 : i32
    %add3A_635 = vector.broadcast %add3A_634 : i32 to vector<16xi32>
    %add3A_636 = arith.addi %mul3A_12, %add3A_635 : vector<16xi32>
    %add3A_637 = arith.addi %add3A_636, %get3A_633 : vector<16xi32>
    tpu.vector_store_idx %arg6[%add3A_637], %broadcast_in_dim3A_15 : memref<28672xi32, #tpu.memory_space<vmem>>[vector<16xi32>], vector<16xi32>,
    %not3A_638 = arith.constant true
    %not3A_639 = arith.xori %eq3A_1, %not3A_638 : i1
    %convert_element_type3A_640 = arith.extui %not3A_639 : i1 to i32
    %cond3A_641 = arith.constant 0 : i32
    %cond3A_642 = arith.cmpi ne, %convert_element_type3A_640, %cond3A_641 : i32
    scf.if %cond3A_642 {
      %add3A_656 = arith.constant 2912 : i32
      %add3A_657 = arith.addi %sub3A, %add3A_656 : i32
      %add3A_658 = arith.constant 0 : i32
      %add3A_659 = arith.addi %add3A_657, %add3A_658 : i32
      %get3A_660 = arith.index_cast %add3A_659 : i32 to index
      %get3A_661 = tpu.vector_load %arg4[%get3A_660] {strides = array<i32>} : memref<3488xi32, #tpu.memory_space<vmem>>, vector<16xi32>,
      %add3A_662 = arith.constant 0 : i32
      %add3A_663 = vector.broadcast %add3A_662 : i32 to vector<16xi32>
      %add3A_664 = arith.addi %mul3A_12, %add3A_663 : vector<16xi32>
      %add3A_665 = arith.addi %add3A_664, %get3A_661 : vector<16xi32>
      tpu.vector_store_idx %arg6[%add3A_665], %broadcast_in_dim3A_13 : memref<28672xi32, #tpu.memory_space<vmem>>[vector<16xi32>], vector<16xi32>,
      %add3A_666 = arith.constant 2912 : i32
      %add3A_667 = arith.addi %sub3A, %add3A_666 : i32
      %add3A_668 = arith.constant 16 : i32
      %add3A_669 = arith.addi %add3A_667, %add3A_668 : i32
      %get3A_670 = arith.index_cast %add3A_669 : i32 to index
      %get3A_671 = tpu.vector_load %arg4[%get3A_670] {strides = array<i32>} : memref<3488xi32, #tpu.memory_space<vmem>>, vector<16xi32>,
      %add3A_672 = arith.constant 2048 : i32
      %add3A_673 = vector.broadcast %add3A_672 : i32 to vector<16xi32>
      %add3A_674 = arith.addi %mul3A_12, %add3A_673 : vector<16xi32>
      %add3A_675 = arith.addi %add3A_674, %get3A_671 : vector<16xi32>
      tpu.vector_store_idx %arg6[%add3A_675], %broadcast_in_dim3A_13 : memref<28672xi32, #tpu.memory_space<vmem>>[vector<16xi32>], vector<16xi32>,
      %add3A_676 = arith.constant 2912 : i32
      %add3A_677 = arith.addi %sub3A, %add3A_676 : i32
      %add3A_678 = arith.constant 32 : i32
      %add3A_679 = arith.addi %add3A_677, %add3A_678 : i32
      %get3A_680 = arith.index_cast %add3A_679 : i32 to index
      %get3A_681 = tpu.vector_load %arg4[%get3A_680] {strides = array<i32>} : memref<3488xi32, #tpu.memory_space<vmem>>, vector<16xi32>,
      %add3A_682 = arith.constant 4096 : i32
      %add3A_683 = vector.broadcast %add3A_682 : i32 to vector<16xi32>
      %add3A_684 = arith.addi %mul3A_12, %add3A_683 : vector<16xi32>
      %add3A_685 = arith.addi %add3A_684, %get3A_681 : vector<16xi32>
      tpu.vector_store_idx %arg6[%add3A_685], %broadcast_in_dim3A_13 : memref<28672xi32, #tpu.memory_space<vmem>>[vector<16xi32>], vector<16xi32>,
      %add3A_686 = arith.constant 2912 : i32
      %add3A_687 = arith.addi %sub3A, %add3A_686 : i32
      %add3A_688 = arith.constant 48 : i32
      %add3A_689 = arith.addi %add3A_687, %add3A_688 : i32
      %get3A_690 = arith.index_cast %add3A_689 : i32 to index
      %get3A_691 = tpu.vector_load %arg4[%get3A_690] {strides = array<i32>} : memref<3488xi32, #tpu.memory_space<vmem>>, vector<16xi32>,
      %add3A_692 = arith.constant 6144 : i32
      %add3A_693 = vector.broadcast %add3A_692 : i32 to vector<16xi32>
      %add3A_694 = arith.addi %mul3A_12, %add3A_693 : vector<16xi32>
      %add3A_695 = arith.addi %add3A_694, %get3A_691 : vector<16xi32>
      tpu.vector_store_idx %arg6[%add3A_695], %broadcast_in_dim3A_13 : memref<28672xi32, #tpu.memory_space<vmem>>[vector<16xi32>], vector<16xi32>,
      %add3A_696 = arith.constant 2912 : i32
      %add3A_697 = arith.addi %sub3A, %add3A_696 : i32
      %add3A_698 = arith.constant 64 : i32
      %add3A_699 = arith.addi %add3A_697, %add3A_698 : i32
      %get3A_700 = arith.index_cast %add3A_699 : i32 to index
      %get3A_701 = tpu.vector_load %arg4[%get3A_700] {strides = array<i32>} : memref<3488xi32, #tpu.memory_space<vmem>>, vector<16xi32>,
      %add3A_702 = arith.constant 8192 : i32
      %add3A_703 = vector.broadcast %add3A_702 : i32 to vector<16xi32>
      %add3A_704 = arith.addi %mul3A_12, %add3A_703 : vector<16xi32>
      %add3A_705 = arith.addi %add3A_704, %get3A_701 : vector<16xi32>
      tpu.vector_store_idx %arg6[%add3A_705], %broadcast_in_dim3A_13 : memref<28672xi32, #tpu.memory_space<vmem>>[vector<16xi32>], vector<16xi32>,
      %add3A_706 = arith.constant 2912 : i32
      %add3A_707 = arith.addi %sub3A, %add3A_706 : i32
      %add3A_708 = arith.constant 80 : i32
      %add3A_709 = arith.addi %add3A_707, %add3A_708 : i32
      %get3A_710 = arith.index_cast %add3A_709 : i32 to index
      %get3A_711 = tpu.vector_load %arg4[%get3A_710] {strides = array<i32>} : memref<3488xi32, #tpu.memory_space<vmem>>, vector<16xi32>,
      %add3A_712 = arith.constant 10240 : i32
      %add3A_713 = vector.broadcast %add3A_712 : i32 to vector<16xi32>
      %add3A_714 = arith.addi %mul3A_12, %add3A_713 : vector<16xi32>
      %add3A_715 = arith.addi %add3A_714, %get3A_711 : vector<16xi32>
      tpu.vector_store_idx %arg6[%add3A_715], %broadcast_in_dim3A_13 : memref<28672xi32, #tpu.memory_space<vmem>>[vector<16xi32>], vector<16xi32>,
      %add3A_716 = arith.constant 2912 : i32
      %add3A_717 = arith.addi %sub3A, %add3A_716 : i32
      %add3A_718 = arith.constant 96 : i32
      %add3A_719 = arith.addi %add3A_717, %add3A_718 : i32
      %get3A_720 = arith.index_cast %add3A_719 : i32 to index
      %get3A_721 = tpu.vector_load %arg4[%get3A_720] {strides = array<i32>} : memref<3488xi32, #tpu.memory_space<vmem>>, vector<16xi32>,
      %add3A_722 = arith.constant 12288 : i32
      %add3A_723 = vector.broadcast %add3A_722 : i32 to vector<16xi32>
      %add3A_724 = arith.addi %mul3A_12, %add3A_723 : vector<16xi32>
      %add3A_725 = arith.addi %add3A_724, %get3A_721 : vector<16xi32>
      tpu.vector_store_idx %arg6[%add3A_725], %broadcast_in_dim3A_13 : memref<28672xi32, #tpu.memory_space<vmem>>[vector<16xi32>], vector<16xi32>,
      %add3A_726 = arith.constant 2912 : i32
      %add3A_727 = arith.addi %sub3A, %add3A_726 : i32
      %add3A_728 = arith.constant 112 : i32
      %add3A_729 = arith.addi %add3A_727, %add3A_728 : i32
      %get3A_730 = arith.index_cast %add3A_729 : i32 to index
      %get3A_731 = tpu.vector_load %arg4[%get3A_730] {strides = array<i32>} : memref<3488xi32, #tpu.memory_space<vmem>>, vector<16xi32>,
      %add3A_732 = arith.constant 14336 : i32
      %add3A_733 = vector.broadcast %add3A_732 : i32 to vector<16xi32>
      %add3A_734 = arith.addi %mul3A_12, %add3A_733 : vector<16xi32>
      %add3A_735 = arith.addi %add3A_734, %get3A_731 : vector<16xi32>
      tpu.vector_store_idx %arg6[%add3A_735], %broadcast_in_dim3A_13 : memref<28672xi32, #tpu.memory_space<vmem>>[vector<16xi32>], vector<16xi32>,
      %add3A_736 = arith.constant 2912 : i32
      %add3A_737 = arith.addi %sub3A, %add3A_736 : i32
      %add3A_738 = arith.constant 128 : i32
      %add3A_739 = arith.addi %add3A_737, %add3A_738 : i32
      %get3A_740 = arith.index_cast %add3A_739 : i32 to index
      %get3A_741 = tpu.vector_load %arg4[%get3A_740] {strides = array<i32>} : memref<3488xi32, #tpu.memory_space<vmem>>, vector<16xi32>,
      %add3A_742 = arith.constant 16384 : i32
      %add3A_743 = vector.broadcast %add3A_742 : i32 to vector<16xi32>
      %add3A_744 = arith.addi %mul3A_12, %add3A_743 : vector<16xi32>
      %add3A_745 = arith.addi %add3A_744, %get3A_741 : vector<16xi32>
      tpu.vector_store_idx %arg6[%add3A_745], %broadcast_in_dim3A_13 : memref<28672xi32, #tpu.memory_space<vmem>>[vector<16xi32>], vector<16xi32>,
      %add3A_746 = arith.constant 2912 : i32
      %add3A_747 = arith.addi %sub3A, %add3A_746 : i32
      %add3A_748 = arith.constant 144 : i32
      %add3A_749 = arith.addi %add3A_747, %add3A_748 : i32
      %get3A_750 = arith.index_cast %add3A_749 : i32 to index
      %get3A_751 = tpu.vector_load %arg4[%get3A_750] {strides = array<i32>} : memref<3488xi32, #tpu.memory_space<vmem>>, vector<16xi32>,
      %add3A_752 = arith.constant 18432 : i32
      %add3A_753 = vector.broadcast %add3A_752 : i32 to vector<16xi32>
      %add3A_754 = arith.addi %mul3A_12, %add3A_753 : vector<16xi32>
      %add3A_755 = arith.addi %add3A_754, %get3A_751 : vector<16xi32>
      tpu.vector_store_idx %arg6[%add3A_755], %broadcast_in_dim3A_13 : memref<28672xi32, #tpu.memory_space<vmem>>[vector<16xi32>], vector<16xi32>,
      %add3A_756 = arith.constant 2912 : i32
      %add3A_757 = arith.addi %sub3A, %add3A_756 : i32
      %add3A_758 = arith.constant 160 : i32
      %add3A_759 = arith.addi %add3A_757, %add3A_758 : i32
      %get3A_760 = arith.index_cast %add3A_759 : i32 to index
      %get3A_761 = tpu.vector_load %arg4[%get3A_760] {strides = array<i32>} : memref<3488xi32, #tpu.memory_space<vmem>>, vector<16xi32>,
      %add3A_762 = arith.constant 20480 : i32
      %add3A_763 = vector.broadcast %add3A_762 : i32 to vector<16xi32>
      %add3A_764 = arith.addi %mul3A_12, %add3A_763 : vector<16xi32>
      %add3A_765 = arith.addi %add3A_764, %get3A_761 : vector<16xi32>
      tpu.vector_store_idx %arg6[%add3A_765], %broadcast_in_dim3A_13 : memref<28672xi32, #tpu.memory_space<vmem>>[vector<16xi32>], vector<16xi32>,
      %add3A_766 = arith.constant 2912 : i32
      %add3A_767 = arith.addi %sub3A, %add3A_766 : i32
      %add3A_768 = arith.constant 176 : i32
      %add3A_769 = arith.addi %add3A_767, %add3A_768 : i32
      %get3A_770 = arith.index_cast %add3A_769 : i32 to index
      %get3A_771 = tpu.vector_load %arg4[%get3A_770] {strides = array<i32>} : memref<3488xi32, #tpu.memory_space<vmem>>, vector<16xi32>,
      %add3A_772 = arith.constant 22528 : i32
      %add3A_773 = vector.broadcast %add3A_772 : i32 to vector<16xi32>
      %add3A_774 = arith.addi %mul3A_12, %add3A_773 : vector<16xi32>
      %add3A_775 = arith.addi %add3A_774, %get3A_771 : vector<16xi32>
      tpu.vector_store_idx %arg6[%add3A_775], %broadcast_in_dim3A_13 : memref<28672xi32, #tpu.memory_space<vmem>>[vector<16xi32>], vector<16xi32>,
      %add3A_776 = arith.constant 2912 : i32
      %add3A_777 = arith.addi %sub3A, %add3A_776 : i32
      %add3A_778 = arith.constant 192 : i32
      %add3A_779 = arith.addi %add3A_777, %add3A_778 : i32
      %get3A_780 = arith.index_cast %add3A_779 : i32 to index
      %get3A_781 = tpu.vector_load %arg4[%get3A_780] {strides = array<i32>} : memref<3488xi32, #tpu.memory_space<vmem>>, vector<16xi32>,
      %add3A_782 = arith.constant 24576 : i32
      %add3A_783 = vector.broadcast %add3A_782 : i32 to vector<16xi32>
      %add3A_784 = arith.addi %mul3A_12, %add3A_783 : vector<16xi32>
      %add3A_785 = arith.addi %add3A_784, %get3A_781 : vector<16xi32>
      tpu.vector_store_idx %arg6[%add3A_785], %broadcast_in_dim3A_13 : memref<28672xi32, #tpu.memory_space<vmem>>[vector<16xi32>], vector<16xi32>,
      %add3A_786 = arith.constant 2912 : i32
      %add3A_787 = arith.addi %sub3A, %add3A_786 : i32
      %add3A_788 = arith.constant 208 : i32
      %add3A_789 = arith.addi %add3A_787, %add3A_788 : i32
      %get3A_790 = arith.index_cast %add3A_789 : i32 to index
      %get3A_791 = tpu.vector_load %arg4[%get3A_790] {strides = array<i32>} : memref<3488xi32, #tpu.memory_space<vmem>>, vector<16xi32>,
      %add3A_792 = arith.constant 26624 : i32
      %add3A_793 = vector.broadcast %add3A_792 : i32 to vector<16xi32>
      %add3A_794 = arith.addi %mul3A_12, %add3A_793 : vector<16xi32>
      %add3A_795 = arith.addi %add3A_794, %get3A_791 : vector<16xi32>
      tpu.vector_store_idx %arg6[%add3A_795], %broadcast_in_dim3A_13 : memref<28672xi32, #tpu.memory_space<vmem>>[vector<16xi32>], vector<16xi32>,
      %add3A_796 = arith.constant 2912 : i32
      %add3A_797 = arith.addi %mul3A_3, %add3A_796 : i32
      %mul3A_798 = arith.constant 128 : i32
      %mul3A_799 = arith.muli %add3A_797, %mul3A_798 : i32
      %dma_start3A_800 = arith.constant 0 : i32
      %dma_start3A_801 = tpu.memref_slice %arg6[%dma_start3A_800] : memref<28672xi32, #tpu.memory_space<vmem>> -> memref<28672xi32, #tpu.memory_space<vmem>>
      %dma_start3A_802 = tpu.memref_slice %arg3[%mul3A_799] : memref<12800000xi32, #tpu.memory_space<hbm>> -> memref<28672xi32, #tpu.memory_space<hbm>>
      %dma_start3A_803 = tpu.memref_slice %arg3[%mul3A_799] : memref<12800000xi32, #tpu.memory_space<hbm>> -> memref<28672xi32, #tpu.memory_space<hbm>>
      %dma_start3A_804 = arith.constant 0 : i32
      %dma_start3A_805 = tpu.memref_slice %arg6[%dma_start3A_804] : memref<28672xi32, #tpu.memory_space<vmem>> -> memref<28672xi32, #tpu.memory_space<vmem>>
      tpu.enqueue_dma source(%dma_start3A_805 : memref<28672xi32, #tpu.memory_space<vmem>>) target(%dma_start3A_803 : memref<28672xi32, #tpu.memory_space<hbm>>) target_semaphore(%arg8 : memref<!tpu.dma_semaphore, #tpu.memory_space<semaphore_mem>>)
    } else {
    }
    %not3A_643 = arith.constant true
    %not3A_644 = arith.xori %eq3A_1, %not3A_643 : i1
    %convert_element_type3A_645 = arith.extui %not3A_644 : i1 to i32
    %cond3A_646 = arith.constant 0 : i32
    %cond3A_647 = arith.cmpi ne, %convert_element_type3A_645, %cond3A_646 : i32
    scf.if %cond3A_647 {
      %dma_wait3A_656 = arith.constant 0 : i32
      %dma_wait3A_657 = tpu.memref_slice %arg5[%dma_wait3A_656] : memref<28672xi32, #tpu.memory_space<vmem>> -> memref<28672xi32, #tpu.memory_space<vmem>>
      %dma_wait3A_658 = arith.constant 0 : i32
      %dma_wait3A_659 = tpu.memref_slice %arg3[%dma_wait3A_658] : memref<12800000xi32, #tpu.memory_space<hbm>> -> memref<28672xi32, #tpu.memory_space<hbm>>
      %dma_wait3A_660 = arith.constant 0 : i32
      %dma_wait3A_661 = tpu.memref_slice %arg3[%dma_wait3A_660] : memref<12800000xi32, #tpu.memory_space<hbm>> -> memref<28672xi32, #tpu.memory_space<hbm>>
      %dma_wait3A_662 = arith.constant 0 : i32
      %dma_wait3A_663 = tpu.memref_slice %arg5[%dma_wait3A_662] : memref<28672xi32, #tpu.memory_space<vmem>> -> memref<28672xi32, #tpu.memory_space<vmem>>
      tpu.wait_dma2 semaphore(%arg7 : memref<!tpu.dma_semaphore, #tpu.memory_space<semaphore_mem>>) src(%dma_wait3A_663 : memref<28672xi32, #tpu.memory_space<vmem>>) dst(%dma_wait3A_661 : memref<28672xi32, #tpu.memory_space<hbm>>)
    } else {
    }
    %convert_element_type3A_648 = arith.extui %eq3A_1 : i1 to i32
    %cond3A_649 = arith.constant 0 : i32
    %cond3A_650 = arith.cmpi ne, %convert_element_type3A_648, %cond3A_649 : i32
    scf.if %cond3A_650 {
      %dma_wait3A_656 = arith.constant 0 : i32
      %dma_wait3A_657 = tpu.memref_slice %arg5[%dma_wait3A_656] : memref<28672xi32, #tpu.memory_space<vmem>> -> memref<12288xi32, #tpu.memory_space<vmem>>
      %dma_wait3A_658 = arith.constant 0 : i32
      %dma_wait3A_659 = tpu.memref_slice %arg3[%dma_wait3A_658] : memref<12800000xi32, #tpu.memory_space<hbm>> -> memref<12288xi32, #tpu.memory_space<hbm>>
      %dma_wait3A_660 = arith.constant 0 : i32
      %dma_wait3A_661 = tpu.memref_slice %arg3[%dma_wait3A_660] : memref<12800000xi32, #tpu.memory_space<hbm>> -> memref<12288xi32, #tpu.memory_space<hbm>>
      %dma_wait3A_662 = arith.constant 0 : i32
      %dma_wait3A_663 = tpu.memref_slice %arg5[%dma_wait3A_662] : memref<28672xi32, #tpu.memory_space<vmem>> -> memref<12288xi32, #tpu.memory_space<vmem>>
      tpu.wait_dma2 semaphore(%arg7 : memref<!tpu.dma_semaphore, #tpu.memory_space<semaphore_mem>>) src(%dma_wait3A_663 : memref<12288xi32, #tpu.memory_space<vmem>>) dst(%dma_wait3A_661 : memref<12288xi32, #tpu.memory_space<hbm>>)
    } else {
    }
    %not3A_651 = arith.constant true
    %not3A_652 = arith.xori %eq3A_1, %not3A_651 : i1
    %convert_element_type3A_653 = arith.extui %not3A_652 : i1 to i32
    %cond3A_654 = arith.constant 0 : i32
    %cond3A_655 = arith.cmpi ne, %convert_element_type3A_653, %cond3A_654 : i32
    scf.if %cond3A_655 {
      %dma_wait3A_656 = arith.constant 0 : i32
      %dma_wait3A_657 = tpu.memref_slice %arg6[%dma_wait3A_656] : memref<28672xi32, #tpu.memory_space<vmem>> -> memref<28672xi32, #tpu.memory_space<vmem>>
      %dma_wait3A_658 = arith.constant 0 : i32
      %dma_wait3A_659 = tpu.memref_slice %arg3[%dma_wait3A_658] : memref<12800000xi32, #tpu.memory_space<hbm>> -> memref<28672xi32, #tpu.memory_space<hbm>>
      %dma_wait3A_660 = arith.constant 0 : i32
      %dma_wait3A_661 = tpu.memref_slice %arg3[%dma_wait3A_660] : memref<12800000xi32, #tpu.memory_space<hbm>> -> memref<28672xi32, #tpu.memory_space<hbm>>
      %dma_wait3A_662 = arith.constant 0 : i32
      %dma_wait3A_663 = tpu.memref_slice %arg6[%dma_wait3A_662] : memref<28672xi32, #tpu.memory_space<vmem>> -> memref<28672xi32, #tpu.memory_space<vmem>>
      tpu.wait_dma2 semaphore(%arg8 : memref<!tpu.dma_semaphore, #tpu.memory_space<semaphore_mem>>) src(%dma_wait3A_663 : memref<28672xi32, #tpu.memory_space<vmem>>) dst(%dma_wait3A_661 : memref<28672xi32, #tpu.memory_space<hbm>>)
    } else {
    }
    return
  }
}

</mosaic_0001>

<sc_bundles>
// kernel: kernel.3.cloned.1.call-start
scs
__scs_entry_jumppad:
0x0: {  	(pc) =	sbr.rel $0x88, $3  }
0x1: {  	(tag) =	ssettag $0x0;
	lr =	simm.s32 $0x1  }
0x2: {  	[smem:$0x3FA0] =	sst lr;
	_ =	strace $0xD0000000  }
0x3: {  	_ = 	snop  }
0x4: {  	_ = 	snop  }
0x5: {  	_ = 	snop  }
0x6: {  	_ = 	snop  }
0x7: {  	_ = 	snop  }
__scs_overlays_trampoline_lowered:
0x8: {  	[smem:$0x3FAF] =	sst s0  }
0x9: {  	[smem:$0x3FB0] =	sst s1  }
0xa: {  	[smem:$0x3FB1] =	sst s2  }
0xb: {  	[smem:$0x3FB2] =	sst s3  }
0xc: {  	[smem:$0x3FB3] =	sst s4  }
0xd: {  	[smem:$0x3FB4] =	sst s5  }
0xe: {  	[smem:$0x3FB5] =	sst s6  }
0xf: {  	[smem:$0x3FB6] =	sst s7  }
0x10: {  	[smem:$0x3FB7] =	sst s8  }
0x11: {  	[smem:$0x3FB8] =	sst s9;
	s0 =	simm.s32 @!p0 $0x0  }
0x12: {  	s1 =	sld [smem:$0x3F9E];
	s0 =	simm.s32 @p0 $0x1  }
0x13: {  	[smem:$0x3FB9] =	sst s0;
	s0 =	simm.s32 @!p1 $0x0  }
0x14: {  	s2 =	sld [smem:$0x3F9D];
	s0 =	simm.s32 @p1 $0x1  }
0x15: {  	[smem:$0x3FBA] =	sst s0;
	s0 =	simm.s32 @!p2 $0x0  }
0x16: {  	s3 =	sld [smem:$0x3FDB];
	s0 =	simm.s32 @p2 $0x1  }
0x17: {  	s4 =	simm.s32 $0x1BF5;
	[smem:$0x3FBC] =	sst s0  }
0x18: {  	s0 =	sld [smem:$0x3F9F];
	_ =	swait.ge [sflag:s4], $0x0  }
0x19: {  	s7 =	sld [smem:$0x3FA0]  }
0x1a: {  	s8 =	sadd.s32 $0xFFFFE003, lr  }
0x1b: {  	s9 =	sadd.s32 $0xFFFFFEF7, lr;
	s5 =	simm.s32 $0xFFFFFFFF;
	p2 =	slt.u32 s8, $0xFFFFF086  }
0x1c: {  	p1 =	slt.u32 s9, $0xF7A;
	s5 =	simm.s32 @!p2 $0x0  }
0x1d: {  	s5 =	simm.s32 @p1 $0x1;
	p0 =	seq.s32 s7, s2  }
0x1e: {  	s7 =	smul.u32 @!p0 $0xF7A, s2;
	p2 =	seq.s32 @!p0 s5, $0x0  }
0x1f: {  	s9 =	smul.u32 $0xF7A, s1;
	s8 =	simm.s32 @!p0 $0x1BF5;
	p2 =	por !p2, p0  }
0x20: {  	[sflag:s8] =	ssyncset.s32 @!p0 $0xFFFFF086;
	s6 =	sadd.s32 @!p0 s3, s7;
	s7 =	simm.s32 @!p0 $0x108  }
0x21: {  	s3 =	sadd.s32 s3, s9;
	s6 =	sadd.s32 @!p0 $0x88, s6;
	s7 =	simm.s32 @p2 $0x1082  }
0x22: {  	[simem:s7], [sflag:s8] =	dma.local @!p0 [hbm:s6], $0xF7A  }
0x23: {  	s9 =	sor.u32 $0xD0000000, s2;
	s6 =	simm.s32 $0x108;
	_ =	swait.ge @!p0 [sflag:s8], $0x0  }
0x24: {  	s3 =	sadd.s32 $0x88, s3;
	s6 =	simm.s32 @!p1 $0x1082;
	[sflag:s4] =	ssyncset.s32 $0xFFFFF086  }
0x25: {  	[simem:s6], [sflag:s4] =	dma.local [hbm:s3], $0xF7A  }
0x26: {  	[smem:$0x3FA0] =	sst s1;
	(tag) =	ssettag s2;
	_ =	strace s9  }
0x27: {  	s1 =	sld [smem:$0x3FB0]  }
0x28: {  	s2 =	sld [smem:$0x3FB1]  }
0x29: {  	s4 =	sld [smem:$0x3FB3]  }
0x2a: {  	p0 =	seq.s32 s5, $0x0;
	s5 =	sld [smem:$0x3FB4]  }
0x2b: {  	s6 =	sld [smem:$0x3FB5]  }
0x2c: {  	s7 =	sld [smem:$0x3FB6]  }
0x2d: {  	s3 =	simm.s32 $0x108;
	s8 =	sld [smem:$0x3FB7]  }
0x2e: {  	s3 =	simm.s32 @!p0 $0x1082;
	s9 =	sld [smem:$0x3FB8]  }
0x2f: {  	lr =	sadd.s32 s0, s3;
	s0 =	sld [smem:$0x3FAF]  }
0x30: {  	s3 =	sld [smem:$0x3FB2]  }
0x31: {  	[smem:$0x3FBB] =	sst s10  }
0x32: {  	s10 =	sld [smem:$0x3FB9];
	_ =	sdelay $0x3  }
0x33: {  	p0 =	seq.s32 s10, $0x1;
	s10 =	sld [smem:$0x3FBB];
	_ =	sdelay $0x3  }
0x34: {  	[smem:$0x3FBB] =	sst s10  }
0x35: {  	s10 =	sld [smem:$0x3FBA];
	_ =	sdelay $0x3  }
0x36: {  	p1 =	seq.s32 s10, $0x1;
	s10 =	sld [smem:$0x3FBB];
	_ =	sdelay $0x3  }
0x37: {  	[smem:$0x3FBB] =	sst s10  }
0x38: {  	s10 =	sld [smem:$0x3FBC]  }
0x39: {  	_ = 	snop;
	(pc) =	sbr.ind lr, $3  }
0x3a: {  	_ = 	snop  }
0x3b: {  	_ = 	snop  }
0x3c: {  	p2 =	seq.s32 s10, $0x1;
	s10 =	sld [smem:$0x3FBB]  }
0x3d: {  	_ =	shalt  }
0x3e: {  	_ =	shalt  }
0x3f: {  	_ =	shalt  }
0x40: {  	_ =	shalt  }
0x41: {  	_ =	shalt  }
0x42: {  	_ =	shalt  }
0x43: {  	_ =	shalt  }
0x44: {  	_ =	shalt  }
0x45: {  	_ =	shalt  }
0x46: {  	_ =	shalt  }
0x47: {  	_ =	shalt  }
0x48: {  	_ =	shalt  }
0x49: {  	_ =	shalt  }
0x4a: {  	_ =	shalt  }
0x4b: {  	_ =	shalt  }
0x4c: {  	_ =	shalt  }
0x4d: {  	_ =	shalt  }
0x4e: {  	_ =	shalt  }
0x4f: {  	_ =	shalt  }
0x50: {  	_ =	shalt  }
0x51: {  	_ =	shalt  }
0x52: {  	_ =	shalt  }
0x53: {  	_ =	shalt  }
0x54: {  	_ =	shalt  }
0x55: {  	_ =	shalt  }
0x56: {  	_ =	shalt  }
0x57: {  	_ =	shalt  }
0x58: {  	_ =	shalt  }
0x59: {  	_ =	shalt  }
0x5a: {  	_ =	shalt  }
0x5b: {  	_ =	shalt  }
0x5c: {  	_ =	shalt  }
0x5d: {  	_ =	shalt  }
0x5e: {  	_ =	shalt  }
0x5f: {  	_ =	shalt  }
0x60: {  	_ =	shalt  }
0x61: {  	_ =	shalt  }
0x62: {  	_ =	shalt  }
0x63: {  	_ =	shalt  }
0x64: {  	_ =	shalt  }
0x65: {  	_ =	shalt  }
0x66: {  	_ =	shalt  }
0x67: {  	_ =	shalt  }
0x68: {  	_ =	shalt  }
0x69: {  	_ =	shalt  }
0x6a: {  	_ =	shalt  }
0x6b: {  	_ =	shalt  }
0x6c: {  	_ =	shalt  }
0x6d: {  	_ =	shalt  }
0x6e: {  	_ =	shalt  }
0x6f: {  	_ =	shalt  }
0x70: {  	_ =	shalt  }
0x71: {  	_ =	shalt  }
0x72: {  	_ =	shalt  }
0x73: {  	_ =	shalt  }
0x74: {  	_ =	shalt  }
0x75: {  	_ =	shalt  }
0x76: {  	_ =	shalt  }
0x77: {  	_ =	shalt  }
0x78: {  	_ =	shalt  }
0x79: {  	_ =	shalt  }
0x7a: {  	_ =	shalt  }
0x7b: {  	_ =	shalt  }
0x7c: {  	_ =	shalt  }
0x7d: {  	_ =	shalt  }
0x7e: {  	_ =	shalt  }
0x7f: {  	_ =	shalt  }
0x80: {  	_ =	shalt  }
0x81: {  	_ =	shalt  }
0x82: {  	_ =	shalt  }
0x83: {  	_ =	shalt  }
0x84: {  	_ =	shalt  }
0x85: {  	_ =	shalt  }
0x86: {  	_ =	shalt  }
0x87: {  	_ =	shalt  }
.Lfunc_end0:
.L_simem_size_0:
called_computation_lowered:
.L_overlay_start_0:
0x88: {  	s2 =	sld [smem:$0x3FD9]  }
0x89: {  	s3 =	sld [smem:$0x3FFE];
	_ =	sdelay $0x1  }
0x8a: {  	s1 =	srdreg.scid  }
0x8b: {  	s0 =	sand.u32 $0x1, s1  }
0x8c: {  	s18 =	sshll.u32 s0, $0xA;
	s2 =	sadd.s32 s3, s2  }
0x8d: {  	s2 =	sadd.s32 s2, s18  }
0x8e: {  	[smem:$0x3FC7] =	sst s2  }
0x8f: {  	_ = 	snop  }
0x90: {  	s2 =	sld [smem:$0x3FC9]  }
0x91: {  	s19 =	sld [smem:$0x3FD0];
	(tm) =	ssettm $0x1  }
0x92: {  	s4 =	sld [smem:$0x3FFB];
	_ =	sdelay $0x3  }
0x93: {  	_ =	strace s4  }
0x94: {  	s4 =	sld [smem:$0x3FFC];
	_ =	sdelay $0x3  }
0x95: {  	_ =	strace s4  }
0x96: {  	s4 =	sld [smem:$0x3FFD];
	_ =	sdelay $0x3  }
0x97: {  	_ =	strace s4  }
0x98: {  	_ =	strace $0x8FFFFFFF  }
0x99: {  	s20 =	sld [smem:$0x3FDB];
	_ =	sdelay $0x1  }
0x9a: {  	s5 =	simm.s32 $_scs_section_size  }
0x9b: {  	s6 =	simm.s32 $_size__tile_overlayer_lowered;
	s7 =	simm.s32 $_tile_overlayer_lowered  }
0x9c: {  	s23 =	simm.s32 $0x1BFF;
	s22 =	sshll.u32 s7, $0x1;
	s4 =	sadd.s32 s5, s20  }
0x9d: {  	s8 =	simm.s32 $0x0;
	s21 =	sshll.u32 s6, $0x1;
	s6 =	sadd.s32 s22, s4  }
0x9e: {  	[timem:s8], [sflag:s23] =	dma.local [hbm:s6], s21  }
0x9f: {  	_ =	swait.ge [sflag:s23], s21  }
0xa0: {  	s5 =	ssub.s32 $0x0, s21;
	[sflag:s23] =	ssyncset.done $0x0  }
0xa1: {  	[sflag:s23] =	ssyncadd.s32 s5;
	_ =	sdelay $0x1  }
0xa2: {  	s24 =	simm.s32 $0x1B8B  }
0xa3: {  	_ =	swait.ge [sflag:s24], $0x1  }
0xa4: {  	[sflag:s24] =	ssyncset.done $0x0  }
0xa5: {  	s25 =	simm.s32 $0x1B8E;
	[sflag:s24] =	ssyncadd.s32 $0xFFFFFFFF  }
0xa6: {  	s26 =	simm.s32 $execute0_lowered;
	[smem:$0x3FD2] =	sst s25  }
0xa7: {  	s5 =	sshll.u32 s26, $0x1;
	_ =	strace $0x80000046;
	[dreg:$0x1] =	wrdreg $0xFFFFFFFF  }
0xa8: {  	s28 =	simm.s32 $_size_execute0_lowered;
	s4 =	sadd.s32 s4, s5;
	[dreg:$0x0] =	wrdreg $0x0  }
0xa9: {  	s5 =	sshll.u32 s28, $0x1;
	[dreg:$0x2] =	wrdreg s4  }
0xaa: {  	[dreg:$0x3] =	wrdreg s5  }
0xab: {  	[dreg:$0x4] =	wrdreg $0xC0  }
0xac: {  	_ =	task [dreg:s8], $0x5FFFF  }
0xad: {  	[dreg:$0x1] =	wrdreg $0xFFFFFFFF  }
0xae: {  	[dreg:$0x0] =	wrdreg $0x60  }
0xaf: {  	[dreg:$0x2] =	wrdreg s2  }
0xb0: {  	[dreg:$0x3] =	wrdreg s19  }
0xb1: {  	[dreg:$0x4] =	wrdreg $0x9  }
0xb2: {  	_ =	task.clear_ibuf [dreg:s8], $0x5FFFF;
	_ =	strace $0x90000046  }
0xb3: {  	s29 =	simm.s32 $0x9;
	_ =	strace $0x80000048  }
0xb4: {  	_ =	swait.ge [sflag:s29], $0x1  }
0xb5: {  	[sflag:s29] =	ssyncadd.s32 $0xFFFFFFFF  }
0xb6: {  	_ =	strace $0x90000048  }
0xb7: {  	_ =	sfence  }
0xb8: {  	s30 =	sld [smem:$0x0];
	_ =	sdelay $0x2  }
0xb9: {  	s31 =	sshll.u32 s1, $0xD;
	s1 =	sshrl.u32 s1, $0x2  }
0xba: {  	s3 =	sand.u32 $0x4000, s31;
	s1 =	sadd.s32 s1, s30  }
0xbb: {  	s0 =	sor.u32 s3, s0;
	s1 =	sshll.u32 s1, $0x11  }
0xbc: {  	s0 =	sor.u32 s1, s0  }
0xbd: {  	s0 =	sadd.s32 $0x8F2B, s0  }
0xbe: {  	[sflag:s0] =	ssyncadd.remote.s32 $0x1  }
0xbf: {  	_ =	sfence.sel $0xFFFF  }
0xc0: {  	[dreg:$0x0] =	wrdreg $0xFFFFFFFF;
	(pc) =	sbr.abs _section_cstart, $3  }
0xc1: {  	[dreg:$0x1] =	wrdreg $0xFFFFFFFF  }
0xc2: {  	_ =	task.clear_ibuf [dreg:s8], $0x2FFFF;
	_ =	strace $0x9FFFFFFF  }
0xc3: {  	(tm) =	ssettm $0x7FFFFFFF  }
tec
execute0_lowered:
.L_overlay_start_1:
0x0: {  	(tag) =	ssettag $0x1  }
0x1: {  	s1 =	srdreg.scid  }
0x2: {  	s0 =	stileid.u32;
	s4 =	rddreg [dreg:$0x0]  }
0x3: {  	s12 =	rddreg [dreg:$0x1];
	s2 =	simm.s32 $0x0;
	s13 =	smul.u32 $0x1880, s0  }
0x4: {  	s18 =	simm.s32 $0x1;
	s11 =	sand.u32 $0x1, s1;
	s16 =	smul.u32 $0x6200, s0  }
0x5: {  	s19 =	simm.s32 $0x2;
	s24 =	sshll.u32 s0, $0x1;
	s14 =	smul.u32 $0xC40, s11  }
0x6: {  	s1 =	rddreg [dreg:$0x2];
	s20 =	sor.u32 s11, s24;
	s29 =	smul.u32 $0x3100, s11  }
0x7: {  	[smem:$0x7FF] =	sst s2;
	s5 =	ssub.s32 $0x2, s11;
	s3 =	smul.u32 $0xC40, s20  }
0x8: {  	_ =	strace $0x80000047;
	s6 =	sshrl.u32 s5, $0x1;
	s8 =	smul.u32 $0x62000, s20  }
0x9: {  	s26 =	smul.u32 $0xC400, s20;
	p0 =	seq.s32 s20, $0x1F;
	p1 =	sne.s32 s20, $0x1F  }
0xa: {  	s20 =	simm.s32 $0x0;
	s10 =	ssub.s32 s5, s6;
	s13 =	sadd.s32 s14, s13  }
0xb: {  	v0 =	vlaneseq.u32;
	s21 =	sshrl.u32 s29, $0x2;
	s7 =	smin.u32 s3, $0x17A60;
	s28 =	sshrl.u32 s8, $0x3  }
0xc: {  	v0 =	vmul.u32 $0x80, v0;
	s5 =	sadd.s32 s12, s26;
	s8 =	sadd.s32 $0x186400, s12;
	s10 =	smax.u32 s10, $0x1  }
0xd: {  	v1 =	vimm.s32 $0x0;
	s15 =	smin.u32 s13, $0x17A60;
	s17 =	sshll.u32 s13, $0x4;
	s3 =	ssub.s32 s3, s7  }
0xe: {  	v2 =	vimm.s32 $0x1;
	v3 =	vor.u32 $0x800, v0;
	v4 =	vor.u32 $0x1000, v0;
	s25 =	sshrl.u32 s7, $0x3;
	s9 =	sadd.s32 s12, s28;
	s11 =	ssub.s32 s13, s15  }
0xf: {  	v5 =	vor.u32 $0x1800, v0;
	v6 =	vor.u32 $0x2000, v0;
	v7 =	vor.u32 $0x2800, v0;
	s30 =	sshll.u32 s15, $0x2;
	s31 =	sadd.s32 s12, s17;
	s15 =	simm.s32 $0x3  }
0x10: {  	v8 =	vor.u32 $0x3000, v0;
	v9 =	vor.u32 $0x3800, v0;
	v10 =	vor.u32 $0x4000, v0;
	s17 =	simm.s32 $0x7E00;
	s4 =	sadd.s32 s4, s25;
	s6 =	sadd.s32 $0xE00, s9  }
0x11: {  	v11 =	vor.u32 $0x4800, v0;
	v12 =	vor.u32 $0x5000, v0;
	v16 =	vmov s21;
	s7 =	sadd.s32 $0xA800, s9;
	s9 =	sadd.s32 $0xB600, s9;
	s12 =	ssub.s32 s16, s30  }
0x12: {  	v13 =	vor.u32 $0x5800, v0;
	v14 =	vor.u32 $0x6000, v0;
	v15 =	vor.u32 $0x6800, v0;
	s13 =	sadd.s32 $0x1C00, s31;
	s14 =	sadd.s32 $0x2A00, s31;
	s16 =	simm.s32 $0xE00  }
.LBB2_1:
0x13: {  	[tilespmem:s2], [sflag:$0x3] =	stream.linear.gather [hbm4b:s4+s2], $0xC40, $0x38;
	[tilespmem:$0xEE00] =	vst v63  }
0x14: {  	s21 =	simm.s32 $0xE40  }
0x15: {  	[tilespmem:s21+$0xFFFFFFC0] =	vst v1  }
0x16: {  	[tilespmem:s21+$0x30] =	vst v1  }
0x17: {  	[tilespmem:s21+$0x20] =	vst v1  }
0x18: {  	[tilespmem:s21+$0x10] =	vst v1  }
0x19: {  	[tilespmem:s21+$0x0] =	vst v1  }
0x1a: {  	[tilespmem:s21+$0xFFFFFFF0] =	vst v1  }
0x1b: {  	s22 =	simm.s32 $0x0;
	[tilespmem:s21+$0xFFFFFFE0] =	vst v1  }
.LBB2_2:
0x1c: {  	s22 =	sadd.s32 $0x8, s22;
	[tilespmem:s21+$0xFFFFFFD0] =	vst v1;
	s21 =	sadd.s32 $0x80, s21  }
0x1d: {  	[tilespmem:s21+$0xFFFFFFC0] =	vst v1;
	p2 =	slt.u32 s22, $0x6F8  }
0x1e: {  	[tilespmem:s21+$0x30] =	vst v1  }
.Ltmp0:
0x1f: {  	[tilespmem:s21+$0x20] =	vst v1;
	(pc) =	sbr.rel @p2 .LBB2_2-.Ltmp0, $4  }
0x20: {  	[tilespmem:s21+$0x10] =	vst v1  }
0x21: {  	[tilespmem:s21+$0x0] =	vst v1  }
0x22: {  	[tilespmem:s21+$0xFFFFFFF0] =	vst v1  }
0x23: {  	[tilespmem:s21+$0xFFFFFFE0] =	vst v1  }
0x24: {  	[tilespmem:s21+$0xFFFFFFD0] =	vst v1  }
0x25: {  	_ =	swait.ge [sflag:s15], $0xC40  }
0x26: {  	[sflag:s15] =	ssyncset.done $0x0  }
0x27: {  	[sflag:s15] =	ssyncadd.s32 $0xFFFFF3C0  }
0x28: {  	v17 =	vld [tilespmem:s3+$0x0];
	_ =	sdelay $0x4  }
0x29: {  	v17 =	vadd.s32 v0, v17;
	_ =	sdelay $0x4  }
0x2a: {  	[tilespmem:v17+s16+$0x0] =	vst.idx.msk $0xffff, v2  }
0x2b: {  	v17 =	vld [tilespmem:s3+$0x10];
	_ =	sdelay $0x4  }
0x2c: {  	v17 =	vadd.s32 v3, v17;
	_ =	sdelay $0x4  }
0x2d: {  	[tilespmem:v17+s16+$0x0] =	vst.idx.msk $0xffff, v2  }
0x2e: {  	v17 =	vld [tilespmem:s3+$0x20];
	_ =	sdelay $0x4  }
0x2f: {  	v17 =	vadd.s32 v4, v17;
	_ =	sdelay $0x4  }
0x30: {  	[tilespmem:v17+s16+$0x0] =	vst.idx.msk $0xffff, v2  }
0x31: {  	v17 =	vld [tilespmem:s3+$0x30];
	_ =	sdelay $0x4  }
0x32: {  	v17 =	vadd.s32 v5, v17;
	_ =	sdelay $0x4  }
0x33: {  	[tilespmem:v17+s16+$0x0] =	vst.idx.msk $0xffff, v2  }
0x34: {  	v17 =	vld [tilespmem:s3+$0x40];
	_ =	sdelay $0x4  }
0x35: {  	v17 =	vadd.s32 v6, v17;
	_ =	sdelay $0x4  }
0x36: {  	[tilespmem:v17+s16+$0x0] =	vst.idx.msk $0xffff, v2  }
0x37: {  	v17 =	vld [tilespmem:s3+$0x50];
	_ =	sdelay $0x4  }
0x38: {  	v17 =	vadd.s32 v7, v17;
	_ =	sdelay $0x4  }
0x39: {  	[tilespmem:v17+s16+$0x0] =	vst.idx.msk $0xffff, v2  }
0x3a: {  	v17 =	vld [tilespmem:s3+$0x60];
	_ =	sdelay $0x4  }
0x3b: {  	v17 =	vadd.s32 v8, v17;
	_ =	sdelay $0x4  }
0x3c: {  	[tilespmem:v17+s16+$0x0] =	vst.idx.msk $0xffff, v2  }
0x3d: {  	v17 =	vld [tilespmem:s3+$0x70];
	_ =	sdelay $0x4  }
0x3e: {  	v17 =	vadd.s32 v9, v17;
	_ =	sdelay $0x4  }
0x3f: {  	[tilespmem:v17+s16+$0x0] =	vst.idx.msk $0xffff, v2  }
0x40: {  	v17 =	vld [tilespmem:s3+$0x80];
	_ =	sdelay $0x4  }
0x41: {  	v17 =	vadd.s32 v10, v17;
	_ =	sdelay $0x4  }
0x42: {  	[tilespmem:v17+s16+$0x0] =	vst.idx.msk $0xffff, v2  }
0x43: {  	v17 =	vld [tilespmem:s3+$0x90];
	_ =	sdelay $0x4  }
0x44: {  	v17 =	vadd.s32 v11, v17;
	_ =	sdelay $0x4  }
0x45: {  	[tilespmem:v17+s16+$0x0] =	vst.idx.msk $0xffff, v2  }
0x46: {  	v17 =	vld [tilespmem:s3+$0xA0];
	_ =	sdelay $0x4  }
0x47: {  	v17 =	vadd.s32 v12, v17;
	_ =	sdelay $0x4  }
0x48: {  	[tilespmem:v17+s16+$0x0] =	vst.idx.msk $0xffff, v2  }
0x49: {  	v17 =	vld [tilespmem:s3+$0xB0];
	_ =	sdelay $0x4  }
0x4a: {  	v17 =	vadd.s32 v13, v17;
	_ =	sdelay $0x4  }
0x4b: {  	[tilespmem:v17+s16+$0x0] =	vst.idx.msk $0xffff, v2  }
0x4c: {  	v17 =	vld [tilespmem:s3+$0xC0];
	_ =	sdelay $0x4  }
0x4d: {  	v17 =	vadd.s32 v14, v17;
	_ =	sdelay $0x4  }
0x4e: {  	[tilespmem:v17+s16+$0x0] =	vst.idx.msk $0xffff, v2  }
0x4f: {  	v17 =	vld [tilespmem:s3+$0xD0];
	_ =	sdelay $0x4  }
0x50: {  	v17 =	vadd.s32 v15, v17;
	_ =	sdelay $0x4  }
0x51: {  	s21 =	simm.s32 $0x7E40;
	[tilespmem:v17+s16+$0x0] =	vst.idx.msk $0xffff, v2  }
0x52: {  	[hbm4b:s5+s2] =	stream.linear.scatter [tilespmem:s16], [sflag:$0x1], $0x7000, $0x38;
	[tilespmem:$0xEE00] =	vst v63  }
0x53: {  	[tilespmem:s21+$0xFFFFFFC0] =	vst v1  }
0x54: {  	[tilespmem:s21+$0x30] =	vst v1  }
0x55: {  	[tilespmem:s21+$0x20] =	vst v1  }
0x56: {  	[tilespmem:s21+$0x10] =	vst v1  }
0x57: {  	[tilespmem:s21+$0x0] =	vst v1  }
0x58: {  	[tilespmem:s21+$0xFFFFFFF0] =	vst v1  }
0x59: {  	s22 =	simm.s32 $0x0;
	[tilespmem:s21+$0xFFFFFFE0] =	vst v1  }
.LBB2_4:
0x5a: {  	s22 =	sadd.s32 $0x8, s22;
	[tilespmem:s21+$0xFFFFFFD0] =	vst v1;
	s21 =	sadd.s32 $0x80, s21  }
0x5b: {  	[tilespmem:s21+$0xFFFFFFC0] =	vst v1;
	p2 =	slt.u32 s22, $0x6F8  }
0x5c: {  	[tilespmem:s21+$0x30] =	vst v1  }
.Ltmp1:
0x5d: {  	[tilespmem:s21+$0x20] =	vst v1;
	(pc) =	sbr.rel @p2 .LBB2_4-.Ltmp1, $4  }
0x5e: {  	[tilespmem:s21+$0x10] =	vst v1  }
0x5f: {  	[tilespmem:s21+$0x0] =	vst v1  }
0x60: {  	[tilespmem:s21+$0xFFFFFFF0] =	vst v1  }
0x61: {  	[tilespmem:s21+$0xFFFFFFE0] =	vst v1  }
0x62: {  	[tilespmem:s21+$0xFFFFFFD0] =	vst v1  }
0x63: {  	v17 =	vld [tilespmem:s3+$0xE0];
	_ =	sdelay $0x4  }
0x64: {  	v17 =	vadd.s32 v0, v17;
	_ =	sdelay $0x4  }
0x65: {  	[tilespmem:v17+s17+$0x0] =	vst.idx.msk $0xffff, v2  }
0x66: {  	v17 =	vld [tilespmem:s3+$0xF0];
	_ =	sdelay $0x4  }
0x67: {  	v17 =	vadd.s32 v3, v17;
	_ =	sdelay $0x4  }
0x68: {  	[tilespmem:v17+s17+$0x0] =	vst.idx.msk $0xffff, v2  }
0x69: {  	v17 =	vld [tilespmem:s3+$0x100];
	_ =	sdelay $0x4  }
0x6a: {  	v17 =	vadd.s32 v4, v17;
	_ =	sdelay $0x4  }
0x6b: {  	[tilespmem:v17+s17+$0x0] =	vst.idx.msk $0xffff, v2  }
0x6c: {  	v17 =	vld [tilespmem:s3+$0x110];
	_ =	sdelay $0x4  }
0x6d: {  	v17 =	vadd.s32 v5, v17;
	_ =	sdelay $0x4  }
0x6e: {  	[tilespmem:v17+s17+$0x0] =	vst.idx.msk $0xffff, v2  }
0x6f: {  	v17 =	vld [tilespmem:s3+$0x120];
	_ =	sdelay $0x4  }
0x70: {  	v17 =	vadd.s32 v6, v17;
	_ =	sdelay $0x4  }
0x71: {  	[tilespmem:v17+s17+$0x0] =	vst.idx.msk $0xffff, v2  }
0x72: {  	v17 =	vld [tilespmem:s3+$0x130];
	_ =	sdelay $0x4  }
0x73: {  	v17 =	vadd.s32 v7, v17;
	_ =	sdelay $0x4  }
0x74: {  	[tilespmem:v17+s17+$0x0] =	vst.idx.msk $0xffff, v2  }
0x75: {  	v17 =	vld [tilespmem:s3+$0x140];
	_ =	sdelay $0x4  }
0x76: {  	v17 =	vadd.s32 v8, v17;
	_ =	sdelay $0x4  }
0x77: {  	[tilespmem:v17+s17+$0x0] =	vst.idx.msk $0xffff, v2  }
0x78: {  	v17 =	vld [tilespmem:s3+$0x150];
	_ =	sdelay $0x4  }
0x79: {  	v17 =	vadd.s32 v9, v17;
	_ =	sdelay $0x4  }
0x7a: {  	[tilespmem:v17+s17+$0x0] =	vst.idx.msk $0xffff, v2  }
0x7b: {  	v17 =	vld [tilespmem:s3+$0x160];
	_ =	sdelay $0x4  }
0x7c: {  	v17 =	vadd.s32 v10, v17;
	_ =	sdelay $0x4  }
0x7d: {  	[tilespmem:v17+s17+$0x0] =	vst.idx.msk $0xffff, v2  }
0x7e: {  	v17 =	vld [tilespmem:s3+$0x170];
	_ =	sdelay $0x4  }
0x7f: {  	v17 =	vadd.s32 v11, v17;
	_ =	sdelay $0x4  }
0x80: {  	[tilespmem:v17+s17+$0x0] =	vst.idx.msk $0xffff, v2  }
0x81: {  	v17 =	vld [tilespmem:s3+$0x180];
	_ =	sdelay $0x4  }
0x82: {  	v17 =	vadd.s32 v12, v17;
	_ =	sdelay $0x4  }
0x83: {  	[tilespmem:v17+s17+$0x0] =	vst.idx.msk $0xffff, v2  }
0x84: {  	v17 =	vld [tilespmem:s3+$0x190];
	_ =	sdelay $0x4  }
0x85: {  	v17 =	vadd.s32 v13, v17;
	_ =	sdelay $0x4  }
0x86: {  	[tilespmem:v17+s17+$0x0] =	vst.idx.msk $0xffff, v2  }
0x87: {  	v17 =	vld [tilespmem:s3+$0x1A0];
	_ =	sdelay $0x4  }
0x88: {  	v17 =	vadd.s32 v14, v17;
	_ =	sdelay $0x4  }
0x89: {  	[tilespmem:v17+s17+$0x0] =	vst.idx.msk $0xffff, v2  }
0x8a: {  	v17 =	vld [tilespmem:s3+$0x1B0];
	_ =	sdelay $0x4  }
0x8b: {  	v17 =	vadd.s32 v15, v17;
	_ =	sdelay $0x3  }
0x8c: {  	s21 =	simm.s32 $0x0  }
0x8d: {  	s22 =	smov.u32 s14;
	s23 =	smov.u32 s13;
	s24 =	smov.u32 s12;
	[tilespmem:v17+s17+$0x0] =	vst.idx.msk $0xffff, v2  }
0x8e: {  	[hbm4b:s6+s21] =	stream.linear.scatter [tilespmem:s17], [sflag:$0x2], $0x7000, $0x38;
	[tilespmem:$0xEE00] =	vst v63  }
.LBB2_6:
0x8f: {  	_ =	swait.ge [sflag:s18], $0x7000  }
0x90: {  	[sflag:s18] =	ssyncset.done $0x0  }
0x91: {  	s25 =	sshra.s32 s24, $0x2;
	[sflag:s18] =	ssyncadd.s32 $0xFFFF9000  }
0x92: {  	v17 =	vld.idx.msk [tilespmem:v16+s25+$0x0 ss:$0x1], $0xffff;
	_ =	sdelay $0x4  }
0x93: {  	v17 =	vadd.s32 v0, v17;
	_ =	sdelay $0x4  }
0x94: {  	[tilespmem:v17+s16+$0x0] =	vst.idx.msk $0xffff, v1  }
0x95: {  	v17 =	vld.idx.msk [tilespmem:v16+s25+$0x10 ss:$0x1], $0xffff;
	_ =	sdelay $0x4  }
0x96: {  	v17 =	vadd.s32 v3, v17;
	_ =	sdelay $0x4  }
0x97: {  	[tilespmem:v17+s16+$0x0] =	vst.idx.msk $0xffff, v1  }
0x98: {  	v17 =	vld.idx.msk [tilespmem:v16+s25+$0x20 ss:$0x1], $0xffff;
	_ =	sdelay $0x4  }
0x99: {  	v17 =	vadd.s32 v4, v17;
	_ =	sdelay $0x4  }
0x9a: {  	[tilespmem:v17+s16+$0x0] =	vst.idx.msk $0xffff, v1  }
0x9b: {  	v17 =	vld.idx.msk [tilespmem:v16+s25+$0x30 ss:$0x1], $0xffff;
	_ =	sdelay $0x4  }
0x9c: {  	v17 =	vadd.s32 v5, v17;
	_ =	sdelay $0x4  }
0x9d: {  	[tilespmem:v17+s16+$0x0] =	vst.idx.msk $0xffff, v1  }
0x9e: {  	v17 =	vld.idx.msk [tilespmem:v16+s25+$0x40 ss:$0x1], $0xffff;
	_ =	sdelay $0x4  }
0x9f: {  	v17 =	vadd.s32 v6, v17;
	_ =	sdelay $0x4  }
0xa0: {  	[tilespmem:v17+s16+$0x0] =	vst.idx.msk $0xffff, v1  }
0xa1: {  	v17 =	vld.idx.msk [tilespmem:v16+s25+$0x50 ss:$0x1], $0xffff;
	_ =	sdelay $0x4  }
0xa2: {  	v17 =	vadd.s32 v7, v17;
	_ =	sdelay $0x4  }
0xa3: {  	[tilespmem:v17+s16+$0x0] =	vst.idx.msk $0xffff, v1  }
0xa4: {  	v17 =	vld.idx.msk [tilespmem:v16+s25+$0x60 ss:$0x1], $0xffff;
	_ =	sdelay $0x4  }
0xa5: {  	v17 =	vadd.s32 v8, v17;
	_ =	sdelay $0x4  }
0xa6: {  	[tilespmem:v17+s16+$0x0] =	vst.idx.msk $0xffff, v1  }
0xa7: {  	v17 =	vld.idx.msk [tilespmem:v16+s25+$0x70 ss:$0x1], $0xffff;
	_ =	sdelay $0x4  }
0xa8: {  	v17 =	vadd.s32 v9, v17;
	_ =	sdelay $0x3  }
0xa9: {  	s26 =	sadd.s32 s21, s11  }
0xaa: {  	s28 =	sand.u32 $0x7FFFFFE0, s26;
	[tilespmem:v17+s16+$0x0] =	vst.idx.msk $0xffff, v1  }
0xab: {  	v17 =	vld [tilespmem:s28+$0x80];
	_ =	sdelay $0x4  }
0xac: {  	v17 =	vadd.s32 v10, v17;
	_ =	sdelay $0x4  }
0xad: {  	[tilespmem:v17+s16+$0x0] =	vst.idx.msk $0xffff, v1  }
0xae: {  	v17 =	vld.idx.msk [tilespmem:v16+s25+$0x90 ss:$0x1], $0xffff;
	_ =	sdelay $0x4  }
0xaf: {  	v17 =	vadd.s32 v11, v17;
	_ =	sdelay $0x4  }
0xb0: {  	[tilespmem:v17+s16+$0x0] =	vst.idx.msk $0xffff, v1  }
0xb1: {  	v17 =	vld.idx.msk [tilespmem:v16+s25+$0xA0 ss:$0x1], $0xffff;
	_ =	sdelay $0x4  }
0xb2: {  	v17 =	vadd.s32 v12, v17;
	_ =	sdelay $0x4  }
0xb3: {  	[tilespmem:v17+s16+$0x0] =	vst.idx.msk $0xffff, v1  }
0xb4: {  	v17 =	vld.idx.msk [tilespmem:v16+s25+$0xB0 ss:$0x1], $0xffff;
	_ =	sdelay $0x4  }
0xb5: {  	v17 =	vadd.s32 v13, v17;
	_ =	sdelay $0x4  }
0xb6: {  	[tilespmem:v17+s16+$0x0] =	vst.idx.msk $0xffff, v1  }
0xb7: {  	v17 =	vld.idx.msk [tilespmem:v16+s25+$0xC0 ss:$0x1], $0xffff;
	_ =	sdelay $0x4  }
0xb8: {  	v17 =	vadd.s32 v14, v17;
	_ =	sdelay $0x4  }
0xb9: {  	[tilespmem:v17+s16+$0x0] =	vst.idx.msk $0xffff, v1  }
0xba: {  	v17 =	vld.idx.msk [tilespmem:v16+s25+$0xD0 ss:$0x1], $0xffff;
	_ =	sdelay $0x4  }
0xbb: {  	v17 =	vadd.s32 v15, v17;
	_ =	sdelay $0x4  }
0xbc: {  	[tilespmem:v17+s16+$0x0] =	vst.idx.msk $0xffff, v1  }
0xbd: {  	v17 =	vld.idx.msk [tilespmem:v16+s25+$0x1C0 ss:$0x1], $0xffff;
	_ =	sdelay $0x4  }
0xbe: {  	v17 =	vadd.s32 v0, v17;
	_ =	sdelay $0x4  }
0xbf: {  	[tilespmem:v17+s16+$0x0] =	vst.idx.msk $0xffff, v2  }
0xc0: {  	v17 =	vld.idx.msk [tilespmem:v16+s25+$0x1D0 ss:$0x1], $0xffff;
	_ =	sdelay $0x4  }
0xc1: {  	v17 =	vadd.s32 v3, v17;
	_ =	sdelay $0x4  }
0xc2: {  	[tilespmem:v17+s16+$0x0] =	vst.idx.msk $0xffff, v2  }
0xc3: {  	v17 =	vld.idx.msk [tilespmem:v16+s25+$0x1E0 ss:$0x1], $0xffff;
	_ =	sdelay $0x4  }
0xc4: {  	v17 =	vadd.s32 v4, v17;
	_ =	sdelay $0x4  }
0xc5: {  	[tilespmem:v17+s16+$0x0] =	vst.idx.msk $0xffff, v2  }
0xc6: {  	v17 =	vld.idx.msk [tilespmem:v16+s25+$0x1F0 ss:$0x1], $0xffff;
	_ =	sdelay $0x4  }
0xc7: {  	v17 =	vadd.s32 v5, v17;
	_ =	sdelay $0x4  }
0xc8: {  	[tilespmem:v17+s16+$0x0] =	vst.idx.msk $0xffff, v2  }
0xc9: {  	v17 =	vld.idx.msk [tilespmem:v16+s25+$0x200 ss:$0x1], $0xffff;
	_ =	sdelay $0x4  }
0xca: {  	v17 =	vadd.s32 v6, v17;
	_ =	sdelay $0x4  }
0xcb: {  	[tilespmem:v17+s16+$0x0] =	vst.idx.msk $0xffff, v2  }
0xcc: {  	v17 =	vld.idx.msk [tilespmem:v16+s25+$0x210 ss:$0x1], $0xffff;
	_ =	sdelay $0x4  }
0xcd: {  	v17 =	vadd.s32 v7, v17;
	_ =	sdelay $0x4  }
0xce: {  	[tilespmem:v17+s16+$0x0] =	vst.idx.msk $0xffff, v2  }
0xcf: {  	v17 =	vld.idx.msk [tilespmem:v16+s25+$0x220 ss:$0x1], $0xffff;
	_ =	sdelay $0x4  }
0xd0: {  	v17 =	vadd.s32 v8, v17;
	_ =	sdelay $0x4  }
0xd1: {  	[tilespmem:v17+s16+$0x0] =	vst.idx.msk $0xffff, v2  }
0xd2: {  	v17 =	vld.idx.msk [tilespmem:v16+s25+$0x230 ss:$0x1], $0xffff;
	_ =	sdelay $0x4  }
0xd3: {  	v17 =	vadd.s32 v9, v17;
	_ =	sdelay $0x3  }
0xd4: {  	s30 =	sadd.s32 $0x1C0, s26  }
0xd5: {  	s28 =	sand.u32 $0x7FFFFFE0, s30;
	[tilespmem:v17+s16+$0x0] =	vst.idx.msk $0xffff, v2  }
0xd6: {  	v17 =	vld [tilespmem:s28+$0x80];
	_ =	sdelay $0x4  }
0xd7: {  	v17 =	vadd.s32 v10, v17;
	_ =	sdelay $0x4  }
0xd8: {  	[tilespmem:v17+s16+$0x0] =	vst.idx.msk $0xffff, v2  }
0xd9: {  	v17 =	vld.idx.msk [tilespmem:v16+s25+$0x250 ss:$0x1], $0xffff;
	_ =	sdelay $0x4  }
0xda: {  	v17 =	vadd.s32 v11, v17;
	_ =	sdelay $0x4  }
0xdb: {  	[tilespmem:v17+s16+$0x0] =	vst.idx.msk $0xffff, v2  }
0xdc: {  	v17 =	vld.idx.msk [tilespmem:v16+s25+$0x260 ss:$0x1], $0xffff;
	_ =	sdelay $0x4  }
0xdd: {  	v17 =	vadd.s32 v12, v17;
	_ =	sdelay $0x4  }
0xde: {  	[tilespmem:v17+s16+$0x0] =	vst.idx.msk $0xffff, v2  }
0xdf: {  	v17 =	vld.idx.msk [tilespmem:v16+s25+$0x270 ss:$0x1], $0xffff;
	_ =	sdelay $0x4  }
0xe0: {  	v17 =	vadd.s32 v13, v17;
	_ =	sdelay $0x4  }
0xe1: {  	[tilespmem:v17+s16+$0x0] =	vst.idx.msk $0xffff, v2  }
0xe2: {  	v17 =	vld.idx.msk [tilespmem:v16+s25+$0x280 ss:$0x1], $0xffff;
	_ =	sdelay $0x4  }
0xe3: {  	v17 =	vadd.s32 v14, v17;
	_ =	sdelay $0x4  }
0xe4: {  	[tilespmem:v17+s16+$0x0] =	vst.idx.msk $0xffff, v2  }
0xe5: {  	v17 =	vld.idx.msk [tilespmem:v16+s25+$0x290 ss:$0x1], $0xffff;
	_ =	sdelay $0x4  }
0xe6: {  	v17 =	vadd.s32 v15, v17;
	_ =	sdelay $0x4  }
0xe7: {  	[tilespmem:v17+s16+$0x0] =	vst.idx.msk $0xffff, v2  }
0xe8: {  	[hbm4b:s23+s2] =	stream.linear.scatter [tilespmem:s16], [sflag:$0x1], $0x7000, $0x38;
	[tilespmem:$0xEE00] =	vst v63  }
0xe9: {  	_ =	swait.ge [sflag:s19], $0x7000  }
0xea: {  	[sflag:s19] =	ssyncset.done $0x0  }
0xeb: {  	[sflag:s19] =	ssyncadd.s32 $0xFFFF9000  }
0xec: {  	v17 =	vld.idx.msk [tilespmem:v16+s25+$0xE0 ss:$0x1], $0xffff;
	_ =	sdelay $0x4  }
0xed: {  	v17 =	vadd.s32 v0, v17;
	_ =	sdelay $0x4  }
0xee: {  	[tilespmem:v17+s17+$0x0] =	vst.idx.msk $0xffff, v1  }
0xef: {  	v17 =	vld.idx.msk [tilespmem:v16+s25+$0xF0 ss:$0x1], $0xffff;
	_ =	sdelay $0x4  }
0xf0: {  	v17 =	vadd.s32 v3, v17;
	_ =	sdelay $0x4  }
0xf1: {  	[tilespmem:v17+s17+$0x0] =	vst.idx.msk $0xffff, v1  }
0xf2: {  	v17 =	vld.idx.msk [tilespmem:v16+s25+$0x100 ss:$0x1], $0xffff;
	_ =	sdelay $0x4  }
0xf3: {  	v17 =	vadd.s32 v4, v17;
	_ =	sdelay $0x4  }
0xf4: {  	[tilespmem:v17+s17+$0x0] =	vst.idx.msk $0xffff, v1  }
0xf5: {  	v17 =	vld.idx.msk [tilespmem:v16+s25+$0x110 ss:$0x1], $0xffff;
	_ =	sdelay $0x4  }
0xf6: {  	v17 =	vadd.s32 v5, v17;
	_ =	sdelay $0x4  }
0xf7: {  	[tilespmem:v17+s17+$0x0] =	vst.idx.msk $0xffff, v1  }
0xf8: {  	v17 =	vld.idx.msk [tilespmem:v16+s25+$0x120 ss:$0x1], $0xffff;
	_ =	sdelay $0x4  }
0xf9: {  	v17 =	vadd.s32 v6, v17;
	_ =	sdelay $0x4  }
0xfa: {  	[tilespmem:v17+s17+$0x0] =	vst.idx.msk $0xffff, v1  }
0xfb: {  	v17 =	vld.idx.msk [tilespmem:v16+s25+$0x130 ss:$0x1], $0xffff;
	_ =	sdelay $0x4  }
0xfc: {  	v17 =	vadd.s32 v7, v17;
	_ =	sdelay $0x4  }
0xfd: {  	[tilespmem:v17+s17+$0x0] =	vst.idx.msk $0xffff, v1  }
0xfe: {  	v17 =	vld.idx.msk [tilespmem:v16+s25+$0x140 ss:$0x1], $0xffff;
	_ =	sdelay $0x4  }
0xff: {  	v17 =	vadd.s32 v8, v17;
	_ =	sdelay $0x4  }
0x100: {  	[tilespmem:v17+s17+$0x0] =	vst.idx.msk $0xffff, v1  }
0x101: {  	v17 =	vld.idx.msk [tilespmem:v16+s25+$0x150 ss:$0x1], $0xffff;
	_ =	sdelay $0x4  }
0x102: {  	v17 =	vadd.s32 v9, v17;
	_ =	sdelay $0x3  }
0x103: {  	s31 =	sadd.s32 $0xE0, s26  }
0x104: {  	s28 =	sand.u32 $0x7FFFFFE0, s31;
	[tilespmem:v17+s17+$0x0] =	vst.idx.msk $0xffff, v1  }
0x105: {  	v17 =	vld [tilespmem:s28+$0x80];
	_ =	sdelay $0x4  }
0x106: {  	v17 =	vadd.s32 v10, v17;
	_ =	sdelay $0x4  }
0x107: {  	[tilespmem:v17+s17+$0x0] =	vst.idx.msk $0xffff, v1  }
0x108: {  	v17 =	vld.idx.msk [tilespmem:v16+s25+$0x170 ss:$0x1], $0xffff;
	_ =	sdelay $0x4  }
0x109: {  	v17 =	vadd.s32 v11, v17;
	_ =	sdelay $0x4  }
0x10a: {  	[tilespmem:v17+s17+$0x0] =	vst.idx.msk $0xffff, v1  }
0x10b: {  	v17 =	vld.idx.msk [tilespmem:v16+s25+$0x180 ss:$0x1], $0xffff;
	_ =	sdelay $0x4  }
0x10c: {  	v17 =	vadd.s32 v12, v17;
	_ =	sdelay $0x4  }
0x10d: {  	[tilespmem:v17+s17+$0x0] =	vst.idx.msk $0xffff, v1  }
0x10e: {  	v17 =	vld.idx.msk [tilespmem:v16+s25+$0x190 ss:$0x1], $0xffff;
	_ =	sdelay $0x4  }
0x10f: {  	v17 =	vadd.s32 v13, v17;
	_ =	sdelay $0x4  }
0x110: {  	[tilespmem:v17+s17+$0x0] =	vst.idx.msk $0xffff, v1  }
0x111: {  	v17 =	vld.idx.msk [tilespmem:v16+s25+$0x1A0 ss:$0x1], $0xffff;
	_ =	sdelay $0x4  }
0x112: {  	v17 =	vadd.s32 v14, v17;
	_ =	sdelay $0x4  }
0x113: {  	[tilespmem:v17+s17+$0x0] =	vst.idx.msk $0xffff, v1  }
0x114: {  	v17 =	vld.idx.msk [tilespmem:v16+s25+$0x1B0 ss:$0x1], $0xffff;
	_ =	sdelay $0x4  }
0x115: {  	v17 =	vadd.s32 v15, v17;
	_ =	sdelay $0x4  }
0x116: {  	[tilespmem:v17+s17+$0x0] =	vst.idx.msk $0xffff, v1  }
0x117: {  	v17 =	vld.idx.msk [tilespmem:v16+s25+$0x2A0 ss:$0x1], $0xffff;
	_ =	sdelay $0x4  }
0x118: {  	v17 =	vadd.s32 v0, v17;
	_ =	sdelay $0x4  }
0x119: {  	[tilespmem:v17+s17+$0x0] =	vst.idx.msk $0xffff, v2  }
0x11a: {  	v17 =	vld.idx.msk [tilespmem:v16+s25+$0x2B0 ss:$0x1], $0xffff;
	_ =	sdelay $0x4  }
0x11b: {  	v17 =	vadd.s32 v3, v17;
	_ =	sdelay $0x4  }
0x11c: {  	[tilespmem:v17+s17+$0x0] =	vst.idx.msk $0xffff, v2  }
0x11d: {  	v17 =	vld.idx.msk [tilespmem:v16+s25+$0x2C0 ss:$0x1], $0xffff;
	_ =	sdelay $0x4  }
0x11e: {  	v17 =	vadd.s32 v4, v17;
	_ =	sdelay $0x4  }
0x11f: {  	[tilespmem:v17+s17+$0x0] =	vst.idx.msk $0xffff, v2  }
0x120: {  	v17 =	vld.idx.msk [tilespmem:v16+s25+$0x2D0 ss:$0x1], $0xffff;
	_ =	sdelay $0x4  }
0x121: {  	v17 =	vadd.s32 v5, v17;
	_ =	sdelay $0x4  }
0x122: {  	[tilespmem:v17+s17+$0x0] =	vst.idx.msk $0xffff, v2  }
0x123: {  	v17 =	vld.idx.msk [tilespmem:v16+s25+$0x2E0 ss:$0x1], $0xffff;
	_ =	sdelay $0x4  }
0x124: {  	v17 =	vadd.s32 v6, v17;
	_ =	sdelay $0x4  }
0x125: {  	[tilespmem:v17+s17+$0x0] =	vst.idx.msk $0xffff, v2  }
0x126: {  	v17 =	vld.idx.msk [tilespmem:v16+s25+$0x2F0 ss:$0x1], $0xffff;
	_ =	sdelay $0x4  }
0x127: {  	v17 =	vadd.s32 v7, v17;
	_ =	sdelay $0x4  }
0x128: {  	[tilespmem:v17+s17+$0x0] =	vst.idx.msk $0xffff, v2  }
0x129: {  	v17 =	vld.idx.msk [tilespmem:v16+s25+$0x300 ss:$0x1], $0xffff;
	_ =	sdelay $0x4  }
0x12a: {  	v17 =	vadd.s32 v8, v17;
	_ =	sdelay $0x4  }
0x12b: {  	[tilespmem:v17+s17+$0x0] =	vst.idx.msk $0xffff, v2  }
0x12c: {  	v17 =	vld.idx.msk [tilespmem:v16+s25+$0x310 ss:$0x1], $0xffff;
	_ =	sdelay $0x4  }
0x12d: {  	v17 =	vadd.s32 v9, v17;
	_ =	sdelay $0x3  }
0x12e: {  	s26 =	sadd.s32 $0x2A0, s26  }
0x12f: {  	s26 =	sand.u32 $0x7FFFFFE0, s26;
	[tilespmem:v17+s17+$0x0] =	vst.idx.msk $0xffff, v2  }
0x130: {  	v17 =	vld [tilespmem:s26+$0x80];
	_ =	sdelay $0x4  }
0x131: {  	v17 =	vadd.s32 v10, v17;
	_ =	sdelay $0x4  }
0x132: {  	[tilespmem:v17+s17+$0x0] =	vst.idx.msk $0xffff, v2  }
0x133: {  	v17 =	vld.idx.msk [tilespmem:v16+s25+$0x330 ss:$0x1], $0xffff;
	_ =	sdelay $0x4  }
0x134: {  	v17 =	vadd.s32 v11, v17;
	_ =	sdelay $0x4  }
0x135: {  	[tilespmem:v17+s17+$0x0] =	vst.idx.msk $0xffff, v2  }
0x136: {  	v17 =	vld.idx.msk [tilespmem:v16+s25+$0x340 ss:$0x1], $0xffff;
	_ =	sdelay $0x4  }
0x137: {  	v17 =	vadd.s32 v12, v17;
	_ =	sdelay $0x4  }
0x138: {  	[tilespmem:v17+s17+$0x0] =	vst.idx.msk $0xffff, v2  }
0x139: {  	v17 =	vld.idx.msk [tilespmem:v16+s25+$0x350 ss:$0x1], $0xffff;
	_ =	sdelay $0x4  }
0x13a: {  	v17 =	vadd.s32 v13, v17;
	_ =	sdelay $0x4  }
0x13b: {  	[tilespmem:v17+s17+$0x0] =	vst.idx.msk $0xffff, v2  }
0x13c: {  	v17 =	vld.idx.msk [tilespmem:v16+s25+$0x360 ss:$0x1], $0xffff;
	_ =	sdelay $0x4  }
0x13d: {  	v17 =	vadd.s32 v14, v17;
	_ =	sdelay $0x4  }
0x13e: {  	[tilespmem:v17+s17+$0x0] =	vst.idx.msk $0xffff, v2  }
0x13f: {  	v17 =	vld.idx.msk [tilespmem:v16+s25+$0x370 ss:$0x1], $0xffff;
	_ =	sdelay $0x4  }
0x140: {  	v17 =	vadd.s32 v15, v17;
	_ =	sdelay $0x1  }
0x141: {  	p2 =	sne.s32 s21, $0x700  }
.Ltmp2:
0x142: {  	_ = 	snop;
	(pc) =	sbr.rel @p2 .LBB2_6-.Ltmp2, $4  }
0x143: {  	_ = 	snop  }
0x144: {  	s24 =	sadd.s32 $0x700, s24;
	[tilespmem:v17+s17+$0x0] =	vst.idx.msk $0xffff, v2  }
0x145: {  	[hbm4b:s22+s2] =	stream.linear.scatter [tilespmem:s17], [sflag:$0x2], $0x7000, $0x38;
	[tilespmem:$0xEE00] =	vst v63  }
0x146: {  	s21 =	sadd.s32 $0x1C0, s21;
	s23 =	sadd.s32 $0x1C00, s23;
	s22 =	sadd.s32 $0x1C00, s22  }
0x147: {  	_ =	swait.ge [sflag:s18], $0x7000  }
0x148: {  	[sflag:s18] =	ssyncset.done $0x0  }
0x149: {  	[sflag:s18] =	ssyncadd.s32 $0xFFFF9000  }
0x14a: {  	v17 =	vld [tilespmem:s3+$0x8C0];
	_ =	sdelay $0x4  }
0x14b: {  	v17 =	vadd.s32 v0, v17;
	_ =	sdelay $0x4  }
0x14c: {  	[tilespmem:v17+s16+$0x0] =	vst.idx.msk $0xffff, v1  }
0x14d: {  	v17 =	vld [tilespmem:s3+$0x8D0];
	_ =	sdelay $0x4  }
0x14e: {  	v17 =	vadd.s32 v3, v17;
	_ =	sdelay $0x4  }
0x14f: {  	[tilespmem:v17+s16+$0x0] =	vst.idx.msk $0xffff, v1  }
0x150: {  	v17 =	vld [tilespmem:s3+$0x8E0];
	_ =	sdelay $0x4  }
0x151: {  	v17 =	vadd.s32 v4, v17;
	_ =	sdelay $0x4  }
0x152: {  	[tilespmem:v17+s16+$0x0] =	vst.idx.msk $0xffff, v1  }
0x153: {  	v17 =	vld [tilespmem:s3+$0x8F0];
	_ =	sdelay $0x4  }
0x154: {  	v17 =	vadd.s32 v5, v17;
	_ =	sdelay $0x4  }
0x155: {  	[tilespmem:v17+s16+$0x0] =	vst.idx.msk $0xffff, v1  }
0x156: {  	v17 =	vld [tilespmem:s3+$0x900];
	_ =	sdelay $0x4  }
0x157: {  	v17 =	vadd.s32 v6, v17;
	_ =	sdelay $0x4  }
0x158: {  	[tilespmem:v17+s16+$0x0] =	vst.idx.msk $0xffff, v1  }
0x159: {  	v17 =	vld [tilespmem:s3+$0x910];
	_ =	sdelay $0x4  }
0x15a: {  	v17 =	vadd.s32 v7, v17;
	_ =	sdelay $0x4  }
0x15b: {  	[tilespmem:v17+s16+$0x0] =	vst.idx.msk $0xffff, v1  }
0x15c: {  	v17 =	vld [tilespmem:s3+$0x920];
	_ =	sdelay $0x4  }
0x15d: {  	v17 =	vadd.s32 v8, v17;
	_ =	sdelay $0x4  }
0x15e: {  	[tilespmem:v17+s16+$0x0] =	vst.idx.msk $0xffff, v1  }
0x15f: {  	v17 =	vld [tilespmem:s3+$0x930];
	_ =	sdelay $0x4  }
0x160: {  	v17 =	vadd.s32 v9, v17;
	_ =	sdelay $0x4  }
0x161: {  	[tilespmem:v17+s16+$0x0] =	vst.idx.msk $0xffff, v1  }
0x162: {  	v17 =	vld [tilespmem:s3+$0x940];
	_ =	sdelay $0x4  }
0x163: {  	v17 =	vadd.s32 v10, v17;
	_ =	sdelay $0x4  }
0x164: {  	[tilespmem:v17+s16+$0x0] =	vst.idx.msk $0xffff, v1  }
0x165: {  	v17 =	vld [tilespmem:s3+$0x950];
	_ =	sdelay $0x4  }
0x166: {  	v17 =	vadd.s32 v11, v17;
	_ =	sdelay $0x4  }
0x167: {  	[tilespmem:v17+s16+$0x0] =	vst.idx.msk $0xffff, v1  }
0x168: {  	v17 =	vld [tilespmem:s3+$0x960];
	_ =	sdelay $0x4  }
0x169: {  	v17 =	vadd.s32 v12, v17;
	_ =	sdelay $0x4  }
0x16a: {  	[tilespmem:v17+s16+$0x0] =	vst.idx.msk $0xffff, v1  }
0x16b: {  	v17 =	vld [tilespmem:s3+$0x970];
	_ =	sdelay $0x4  }
0x16c: {  	v17 =	vadd.s32 v13, v17;
	_ =	sdelay $0x4  }
0x16d: {  	[tilespmem:v17+s16+$0x0] =	vst.idx.msk $0xffff, v1  }
0x16e: {  	v17 =	vld [tilespmem:s3+$0x980];
	_ =	sdelay $0x4  }
0x16f: {  	v17 =	vadd.s32 v14, v17;
	_ =	sdelay $0x4  }
0x170: {  	[tilespmem:v17+s16+$0x0] =	vst.idx.msk $0xffff, v1  }
0x171: {  	v17 =	vld [tilespmem:s3+$0x990];
	_ =	sdelay $0x4  }
0x172: {  	v17 =	vadd.s32 v15, v17;
	_ =	sdelay $0x4  }
0x173: {  	[tilespmem:v17+s16+$0x0] =	vst.idx.msk $0xffff, v1  }
0x174: {  	v17 =	vld @p0 [tilespmem:$0xBE0];
	_ =	sdelay $0x1  }
0x175: {  	v18 =	vlaneseq.u32 @p0  }
0x176: {  	v18 =	vmul.u32 @p0 $0x80, v18;
	_ =	sdelay $0x1  }
0x177: {  	v17 =	vadd.s32 @p0 v18, v17;
	_ =	sdelay $0x3  }
0x178: {  	v19 =	vimm.s32 @p0 $0x1;
	s21 =	simm.s32 @p0 $0xE00  }
0x179: {  	[tilespmem:v17+s21+$0x0] =	vst.idx.msk @p0 $0xffff, v19  }
0x17a: {  	v17 =	vld @p0 [tilespmem:$0xBF0];
	_ =	sdelay $0x3  }
0x17b: {  	v20 =	vor.u32 @p0 $0x800, v18  }
0x17c: {  	v17 =	vadd.s32 @p0 v20, v17;
	_ =	sdelay $0x4  }
0x17d: {  	[tilespmem:v17+s21+$0x0] =	vst.idx.msk @p0 $0xffff, v19  }
0x17e: {  	v17 =	vld @p0 [tilespmem:$0xC00];
	_ =	sdelay $0x3  }
0x17f: {  	v20 =	vor.u32 @p0 $0x1000, v18  }
0x180: {  	v17 =	vadd.s32 @p0 v20, v17;
	_ =	sdelay $0x4  }
0x181: {  	[tilespmem:v17+s21+$0x0] =	vst.idx.msk @p0 $0xffff, v19  }
0x182: {  	v17 =	vld @p0 [tilespmem:$0xC10];
	_ =	sdelay $0x3  }
0x183: {  	v20 =	vor.u32 @p0 $0x1800, v18  }
0x184: {  	v17 =	vadd.s32 @p0 v20, v17;
	_ =	sdelay $0x4  }
0x185: {  	[tilespmem:v17+s21+$0x0] =	vst.idx.msk @p0 $0xffff, v19  }
0x186: {  	v17 =	vld @p0 [tilespmem:$0xC20];
	_ =	sdelay $0x3  }
0x187: {  	v20 =	vor.u32 @p0 $0x2000, v18  }
0x188: {  	v17 =	vadd.s32 @p0 v20, v17;
	_ =	sdelay $0x4  }
0x189: {  	[tilespmem:v17+s21+$0x0] =	vst.idx.msk @p0 $0xffff, v19  }
0x18a: {  	v17 =	vld @p0 [tilespmem:$0xC30];
	_ =	sdelay $0x3  }
0x18b: {  	v18 =	vor.u32 @p0 $0x2800, v18  }
0x18c: {  	v17 =	vadd.s32 @p0 v18, v17;
	_ =	sdelay $0x4  }
0x18d: {  	s22 =	simm.s32 @p0 $0x0;
	[tilespmem:v17+s21+$0x0] =	vst.idx.msk @p0 $0xffff, v19  }
0x18e: {  	[hbm4b:s8+s22] =	stream.linear.scatter @p0 [tilespmem:s21], [sflag:$0x1], $0x3000, $0x38;
	[tilespmem:$0xEE00] =	vst v63  }
0x18f: {  	v17 =	vld @!p0 [tilespmem:s3+$0xA80];
	_ =	sdelay $0x1  }
0x190: {  	v18 =	vlaneseq.u32 @!p0  }
0x191: {  	v18 =	vmul.u32 @!p0 $0x80, v18;
	_ =	sdelay $0x1  }
0x192: {  	v17 =	vadd.s32 @!p0 v18, v17;
	_ =	sdelay $0x3  }
0x193: {  	v19 =	vimm.s32 @!p0 $0x1;
	s21 =	simm.s32 @!p0 $0xE00  }
0x194: {  	[tilespmem:v17+s21+$0x0] =	vst.idx.msk @!p0 $0xffff, v19  }
0x195: {  	v17 =	vld @!p0 [tilespmem:s3+$0xA90];
	_ =	sdelay $0x3  }
0x196: {  	v20 =	vor.u32 @!p0 $0x800, v18  }
0x197: {  	v17 =	vadd.s32 @!p0 v20, v17;
	_ =	sdelay $0x4  }
0x198: {  	[tilespmem:v17+s21+$0x0] =	vst.idx.msk @!p0 $0xffff, v19  }
0x199: {  	v17 =	vld @!p0 [tilespmem:s3+$0xAA0];
	_ =	sdelay $0x3  }
0x19a: {  	v20 =	vor.u32 @!p0 $0x1000, v18  }
0x19b: {  	v17 =	vadd.s32 @!p0 v20, v17;
	_ =	sdelay $0x4  }
0x19c: {  	[tilespmem:v17+s21+$0x0] =	vst.idx.msk @!p0 $0xffff, v19  }
0x19d: {  	v17 =	vld @!p0 [tilespmem:s3+$0xAB0];
	_ =	sdelay $0x3  }
0x19e: {  	v20 =	vor.u32 @!p0 $0x1800, v18  }
0x19f: {  	v17 =	vadd.s32 @!p0 v20, v17;
	_ =	sdelay $0x4  }
0x1a0: {  	[tilespmem:v17+s21+$0x0] =	vst.idx.msk @!p0 $0xffff, v19  }
0x1a1: {  	v17 =	vld @!p0 [tilespmem:s3+$0xAC0];
	_ =	sdelay $0x3  }
0x1a2: {  	v20 =	vor.u32 @!p0 $0x2000, v18  }
0x1a3: {  	v17 =	vadd.s32 @!p0 v20, v17;
	_ =	sdelay $0x4  }
0x1a4: {  	[tilespmem:v17+s21+$0x0] =	vst.idx.msk @!p0 $0xffff, v19  }
0x1a5: {  	v17 =	vld @!p0 [tilespmem:s3+$0xAD0];
	_ =	sdelay $0x3  }
0x1a6: {  	v20 =	vor.u32 @!p0 $0x2800, v18  }
0x1a7: {  	v17 =	vadd.s32 @!p0 v20, v17;
	_ =	sdelay $0x4  }
0x1a8: {  	[tilespmem:v17+s21+$0x0] =	vst.idx.msk @!p0 $0xffff, v19  }
0x1a9: {  	v17 =	vld @!p0 [tilespmem:s3+$0xAE0];
	_ =	sdelay $0x3  }
0x1aa: {  	v20 =	vor.u32 @!p0 $0x3000, v18  }
0x1ab: {  	v17 =	vadd.s32 @!p0 v20, v17;
	_ =	sdelay $0x4  }
0x1ac: {  	[tilespmem:v17+s21+$0x0] =	vst.idx.msk @!p0 $0xffff, v19  }
0x1ad: {  	v17 =	vld @!p0 [tilespmem:s3+$0xAF0];
	_ =	sdelay $0x3  }
0x1ae: {  	v20 =	vor.u32 @!p0 $0x3800, v18  }
0x1af: {  	v17 =	vadd.s32 @!p0 v20, v17;
	_ =	sdelay $0x4  }
0x1b0: {  	[tilespmem:v17+s21+$0x0] =	vst.idx.msk @!p0 $0xffff, v19  }
0x1b1: {  	v17 =	vld @!p0 [tilespmem:s3+$0xB00];
	_ =	sdelay $0x3  }
0x1b2: {  	v20 =	vor.u32 @!p0 $0x4000, v18  }
0x1b3: {  	v17 =	vadd.s32 @!p0 v20, v17;
	_ =	sdelay $0x4  }
0x1b4: {  	[tilespmem:v17+s21+$0x0] =	vst.idx.msk @!p0 $0xffff, v19  }
0x1b5: {  	v17 =	vld @!p0 [tilespmem:s3+$0xB10];
	_ =	sdelay $0x3  }
0x1b6: {  	v20 =	vor.u32 @!p0 $0x4800, v18  }
0x1b7: {  	v17 =	vadd.s32 @!p0 v20, v17;
	_ =	sdelay $0x4  }
0x1b8: {  	[tilespmem:v17+s21+$0x0] =	vst.idx.msk @!p0 $0xffff, v19  }
0x1b9: {  	v17 =	vld @!p0 [tilespmem:s3+$0xB20];
	_ =	sdelay $0x3  }
0x1ba: {  	v20 =	vor.u32 @!p0 $0x5000, v18  }
0x1bb: {  	v17 =	vadd.s32 @!p0 v20, v17;
	_ =	sdelay $0x4  }
0x1bc: {  	[tilespmem:v17+s21+$0x0] =	vst.idx.msk @!p0 $0xffff, v19  }
0x1bd: {  	v17 =	vld @!p0 [tilespmem:s3+$0xB30];
	_ =	sdelay $0x3  }
0x1be: {  	v20 =	vor.u32 @!p0 $0x5800, v18  }
0x1bf: {  	v17 =	vadd.s32 @!p0 v20, v17;
	_ =	sdelay $0x4  }
0x1c0: {  	[tilespmem:v17+s21+$0x0] =	vst.idx.msk @!p0 $0xffff, v19  }
0x1c1: {  	v17 =	vld @!p0 [tilespmem:s3+$0xB40];
	_ =	sdelay $0x3  }
0x1c2: {  	v20 =	vor.u32 @!p0 $0x6000, v18  }
0x1c3: {  	v17 =	vadd.s32 @!p0 v20, v17;
	_ =	sdelay $0x4  }
0x1c4: {  	[tilespmem:v17+s21+$0x0] =	vst.idx.msk @!p0 $0xffff, v19  }
0x1c5: {  	v17 =	vld @!p0 [tilespmem:s3+$0xB50];
	_ =	sdelay $0x3  }
0x1c6: {  	v18 =	vor.u32 @!p0 $0x6800, v18  }
0x1c7: {  	v17 =	vadd.s32 @!p0 v18, v17;
	_ =	sdelay $0x4  }
0x1c8: {  	s22 =	simm.s32 @!p0 $0x0;
	[tilespmem:v17+s21+$0x0] =	vst.idx.msk @!p0 $0xffff, v19  }
0x1c9: {  	[hbm4b:s7+s22] =	stream.linear.scatter @!p0 [tilespmem:s21], [sflag:$0x1], $0x7000, $0x38;
	[tilespmem:$0xEE00] =	vst v63  }
0x1ca: {  	_ =	swait.ge [sflag:s19], $0x7000  }
0x1cb: {  	[sflag:s19] =	ssyncset.done $0x0  }
0x1cc: {  	[sflag:s19] =	ssyncadd.s32 $0xFFFF9000  }
0x1cd: {  	v17 =	vld [tilespmem:s3+$0x9A0];
	_ =	sdelay $0x4  }
0x1ce: {  	v17 =	vadd.s32 v0, v17;
	_ =	sdelay $0x4  }
0x1cf: {  	[tilespmem:v17+s17+$0x0] =	vst.idx.msk $0xffff, v1  }
0x1d0: {  	v17 =	vld [tilespmem:s3+$0x9B0];
	_ =	sdelay $0x4  }
0x1d1: {  	v17 =	vadd.s32 v3, v17;
	_ =	sdelay $0x4  }
0x1d2: {  	[tilespmem:v17+s17+$0x0] =	vst.idx.msk $0xffff, v1  }
0x1d3: {  	v17 =	vld [tilespmem:s3+$0x9C0];
	_ =	sdelay $0x4  }
0x1d4: {  	v17 =	vadd.s32 v4, v17;
	_ =	sdelay $0x4  }
0x1d5: {  	[tilespmem:v17+s17+$0x0] =	vst.idx.msk $0xffff, v1  }
0x1d6: {  	v17 =	vld [tilespmem:s3+$0x9D0];
	_ =	sdelay $0x4  }
0x1d7: {  	v17 =	vadd.s32 v5, v17;
	_ =	sdelay $0x4  }
0x1d8: {  	[tilespmem:v17+s17+$0x0] =	vst.idx.msk $0xffff, v1  }
0x1d9: {  	v17 =	vld [tilespmem:s3+$0x9E0];
	_ =	sdelay $0x4  }
0x1da: {  	v17 =	vadd.s32 v6, v17;
	_ =	sdelay $0x4  }
0x1db: {  	[tilespmem:v17+s17+$0x0] =	vst.idx.msk $0xffff, v1  }
0x1dc: {  	v17 =	vld [tilespmem:s3+$0x9F0];
	_ =	sdelay $0x4  }
0x1dd: {  	v17 =	vadd.s32 v7, v17;
	_ =	sdelay $0x4  }
0x1de: {  	[tilespmem:v17+s17+$0x0] =	vst.idx.msk $0xffff, v1  }
0x1df: {  	v17 =	vld [tilespmem:s3+$0xA00];
	_ =	sdelay $0x4  }
0x1e0: {  	v17 =	vadd.s32 v8, v17;
	_ =	sdelay $0x4  }
0x1e1: {  	[tilespmem:v17+s17+$0x0] =	vst.idx.msk $0xffff, v1  }
0x1e2: {  	v17 =	vld [tilespmem:s3+$0xA10];
	_ =	sdelay $0x4  }
0x1e3: {  	v17 =	vadd.s32 v9, v17;
	_ =	sdelay $0x4  }
0x1e4: {  	[tilespmem:v17+s17+$0x0] =	vst.idx.msk $0xffff, v1  }
0x1e5: {  	v17 =	vld [tilespmem:s3+$0xA20];
	_ =	sdelay $0x4  }
0x1e6: {  	v17 =	vadd.s32 v10, v17;
	_ =	sdelay $0x4  }
0x1e7: {  	[tilespmem:v17+s17+$0x0] =	vst.idx.msk $0xffff, v1  }
0x1e8: {  	v17 =	vld [tilespmem:s3+$0xA30];
	_ =	sdelay $0x4  }
0x1e9: {  	v17 =	vadd.s32 v11, v17;
	_ =	sdelay $0x4  }
0x1ea: {  	[tilespmem:v17+s17+$0x0] =	vst.idx.msk $0xffff, v1  }
0x1eb: {  	v17 =	vld [tilespmem:s3+$0xA40];
	_ =	sdelay $0x4  }
0x1ec: {  	v17 =	vadd.s32 v12, v17;
	_ =	sdelay $0x4  }
0x1ed: {  	[tilespmem:v17+s17+$0x0] =	vst.idx.msk $0xffff, v1  }
0x1ee: {  	v17 =	vld [tilespmem:s3+$0xA50];
	_ =	sdelay $0x4  }
0x1ef: {  	v17 =	vadd.s32 v13, v17;
	_ =	sdelay $0x4  }
0x1f0: {  	[tilespmem:v17+s17+$0x0] =	vst.idx.msk $0xffff, v1  }
0x1f1: {  	v17 =	vld [tilespmem:s3+$0xA60];
	_ =	sdelay $0x4  }
0x1f2: {  	v17 =	vadd.s32 v14, v17;
	_ =	sdelay $0x4  }
0x1f3: {  	[tilespmem:v17+s17+$0x0] =	vst.idx.msk $0xffff, v1  }
0x1f4: {  	v17 =	vld [tilespmem:s3+$0xA70];
	_ =	sdelay $0x4  }
0x1f5: {  	v17 =	vadd.s32 v15, v17;
	_ =	sdelay $0x4  }
0x1f6: {  	[tilespmem:v17+s17+$0x0] =	vst.idx.msk $0xffff, v1  }
0x1f7: {  	_ =	swait.ge @!p1 [sflag:s18], $0x3000  }
0x1f8: {  	[sflag:s18] =	ssyncset.done @!p1 $0x0  }
0x1f9: {  	[sflag:s18] =	ssyncadd.s32 @!p1 $0xFFFFD000  }
0x1fa: {  	v17 =	vld @p1 [tilespmem:s3+$0xB60];
	_ =	sdelay $0x4  }
0x1fb: {  	v17 =	vadd.s32 @p1 v0, v17;
	_ =	sdelay $0x4  }
0x1fc: {  	[tilespmem:v17+s17+$0x0] =	vst.idx.msk @p1 $0xffff, v2  }
0x1fd: {  	v17 =	vld @p1 [tilespmem:s3+$0xB70];
	_ =	sdelay $0x4  }
0x1fe: {  	v17 =	vadd.s32 @p1 v3, v17;
	_ =	sdelay $0x4  }
0x1ff: {  	[tilespmem:v17+s17+$0x0] =	vst.idx.msk @p1 $0xffff, v2  }
0x200: {  	v17 =	vld @p1 [tilespmem:s3+$0xB80];
	_ =	sdelay $0x4  }
0x201: {  	v17 =	vadd.s32 @p1 v4, v17;
	_ =	sdelay $0x4  }
0x202: {  	[tilespmem:v17+s17+$0x0] =	vst.idx.msk @p1 $0xffff, v2  }
0x203: {  	v17 =	vld @p1 [tilespmem:s3+$0xB90];
	_ =	sdelay $0x4  }
0x204: {  	v17 =	vadd.s32 @p1 v5, v17;
	_ =	sdelay $0x4  }
0x205: {  	[tilespmem:v17+s17+$0x0] =	vst.idx.msk @p1 $0xffff, v2  }
0x206: {  	v17 =	vld @p1 [tilespmem:s3+$0xBA0];
	_ =	sdelay $0x4  }
0x207: {  	v17 =	vadd.s32 @p1 v6, v17;
	_ =	sdelay $0x4  }
0x208: {  	[tilespmem:v17+s17+$0x0] =	vst.idx.msk @p1 $0xffff, v2  }
0x209: {  	v17 =	vld @p1 [tilespmem:s3+$0xBB0];
	_ =	sdelay $0x4  }
0x20a: {  	v17 =	vadd.s32 @p1 v7, v17;
	_ =	sdelay $0x4  }
0x20b: {  	[tilespmem:v17+s17+$0x0] =	vst.idx.msk @p1 $0xffff, v2  }
0x20c: {  	v17 =	vld @p1 [tilespmem:s3+$0xBC0];
	_ =	sdelay $0x4  }
0x20d: {  	v17 =	vadd.s32 @p1 v8, v17;
	_ =	sdelay $0x4  }
0x20e: {  	[tilespmem:v17+s17+$0x0] =	vst.idx.msk @p1 $0xffff, v2  }
0x20f: {  	v17 =	vld @p1 [tilespmem:s3+$0xBD0];
	_ =	sdelay $0x4  }
0x210: {  	v17 =	vadd.s32 @p1 v9, v17;
	_ =	sdelay $0x4  }
0x211: {  	[tilespmem:v17+s17+$0x0] =	vst.idx.msk @p1 $0xffff, v2  }
0x212: {  	v17 =	vld @p1 [tilespmem:s3+$0xBE0];
	_ =	sdelay $0x4  }
0x213: {  	v17 =	vadd.s32 @p1 v10, v17;
	_ =	sdelay $0x4  }
0x214: {  	[tilespmem:v17+s17+$0x0] =	vst.idx.msk @p1 $0xffff, v2  }
0x215: {  	v17 =	vld @p1 [tilespmem:s3+$0xBF0];
	_ =	sdelay $0x4  }
0x216: {  	v17 =	vadd.s32 @p1 v11, v17;
	_ =	sdelay $0x4  }
0x217: {  	[tilespmem:v17+s17+$0x0] =	vst.idx.msk @p1 $0xffff, v2  }
0x218: {  	v17 =	vld @p1 [tilespmem:s3+$0xC00];
	_ =	sdelay $0x4  }
0x219: {  	v17 =	vadd.s32 @p1 v12, v17;
	_ =	sdelay $0x4  }
0x21a: {  	[tilespmem:v17+s17+$0x0] =	vst.idx.msk @p1 $0xffff, v2  }
0x21b: {  	v17 =	vld @p1 [tilespmem:s3+$0xC10];
	_ =	sdelay $0x4  }
0x21c: {  	v17 =	vadd.s32 @p1 v13, v17;
	_ =	sdelay $0x4  }
0x21d: {  	[tilespmem:v17+s17+$0x0] =	vst.idx.msk @p1 $0xffff, v2  }
0x21e: {  	v17 =	vld @p1 [tilespmem:s3+$0xC20];
	_ =	sdelay $0x4  }
0x21f: {  	v17 =	vadd.s32 @p1 v14, v17;
	_ =	sdelay $0x4  }
0x220: {  	[tilespmem:v17+s17+$0x0] =	vst.idx.msk @p1 $0xffff, v2  }
0x221: {  	v17 =	vld @p1 [tilespmem:s3+$0xC30];
	_ =	sdelay $0x4  }
0x222: {  	v17 =	vadd.s32 @p1 v15, v17;
	_ =	sdelay $0x4  }
0x223: {  	s20 =	sadd.s32 $0x1, s20;
	[tilespmem:v17+s17+$0x0] =	vst.idx.msk @p1 $0xffff, v2  }
0x224: {  	[hbm4b:s9+s2] =	stream.linear.scatter @p1 [tilespmem:s17], [sflag:$0x2], $0x7000, $0x38;
	[tilespmem:$0xEE00] =	vst v63  }
0x225: {  	p2 =	sne.s32 s20, s10;
	_ =	swait.ge @p1 [sflag:s18], $0x7000  }
.Ltmp3:
0x226: {  	[sflag:s18] =	ssyncset.done @p1 $0x0;
	(pc) =	sbr.rel @p2 .LBB2_1-.Ltmp3, $4  }
0x227: {  	[sflag:s18] =	ssyncadd.s32 @p1 $0xFFFF9000  }
0x228: {  	_ =	swait.ge @p1 [sflag:s19], $0x7000  }
0x229: {  	[sflag:s19] =	ssyncset.done @p1 $0x0  }
0x22a: {  	[sflag:s19] =	ssyncadd.s32 @p1 $0xFFFF9000  }
0x22b: {  	_ =	sfence.sel $0x180000  }
0x22c: {  	[bflag:$0x0] =	sbarrier.arrive $0xFFFF  }
0x22d: {  	p0 =	sne.s32 s0, $0x0;
	_ =	strace $0x90000047  }
0x22e: {  	s0 =	sadd.s32 @!p0 $0x100000, s1;
	[bflag:$0x2] =	sbarrier.arrive $0xFFFF  }
0x22f: {  	[sflag:s0] =	ssyncadd.tile.s32 @!p0 $0x1;
	_ =	shalt  }
.Lfunc_end2:
_tile_overlayer_lowered:
.L_overlay_start_2:
0x230: {  	(tag) =	ssettag $0x2  }
0x231: {  	s0 =	rddreg [dreg:$0x0];
	s2 =	stileid.u32  }
0x232: {  	s1 =	rddreg [dreg:$0x1];
	p0 =	sne.s32 s2, $0x0  }
0x233: {  	s3 =	rddreg [dreg:$0x2];
	[bflag:$0x3] =	sbarrier.arrive $0xFFFF;
	s2 =	simm.s32 @!p0 $0x1C04  }
0x234: {  	[timem:s3], [sflag:s2] =	dma.local @!p0 [hbm:s0], s1  }
0x235: {  	s0 =	simm.s32 @!p0 $0x4  }
0x236: {  	_ =	swait.ge @!p0 [sflag:s0], s1  }
0x237: {  	s1 =	ssub.s32 @!p0 $0x0, s1;
	[sflag:s0] =	ssyncset.done @!p0 $0x0  }
0x238: {  	[sflag:s0] =	ssyncadd.s32 @!p0 s1  }
0x239: {  	[bflag:$0x3] =	sbarrier.arrive $0xFFFF  }
0x23a: {  	_ =	shalt  }

</sc_bundles>
